<compile_context>
chip_gen: v7x
topology: tpu7x:2x2x1
jax: 0.10.2.dev20260603
libtpu: 0.0.44.dev20260713+nightly
codegen_flags: <defaults>
</compile_context>

<pallas_src>
import functools

import jax
import jax.numpy as jnp
from jax import lax
from jax.experimental import pallas as pl
from jax.experimental.pallas import tpu as pltpu
from jax.experimental.pallas import tpu_sc as plsc

N_NODES = 10000
N_PAD = 10240
D = 128
N_EDGES = 320000
NC = 2
NS = 16
NW = NC * NS
EPW = N_EDGES // NW
K = 80
CH = EPW // K
ZR = N_PAD // NS
BLK = 400
GRID = N_NODES // BLK


def _mesh():
  return plsc.VectorSubcoreMesh(
      core_axis_name="c", subcore_axis_name="s", num_cores=NC, num_subcores=NS)



def _sc_hist(col3, zeros, ones):

  @functools.partial(
      pl.kernel,
      out_type=jax.ShapeDtypeStruct((NC, N_PAD, D), jnp.float32),
      mesh=_mesh(),
      scratch_types=[
          pltpu.VMEM((CH, K), jnp.int32),
          pltpu.VMEM((K, D), jnp.float32),
          pltpu.VMEM_SHARED((N_PAD, D), jnp.float32),
      ],
  )
  def hist(col_hbm, z_hbm, ones_hbm, out_hbm, colv, onesv, acc):
    cid = lax.axis_index("c")
    sid = lax.axis_index("s")
    wid = cid * NS + sid
    pltpu.sync_copy(col_hbm.at[wid], colv)
    pltpu.sync_copy(ones_hbm, onesv)
    pltpu.sync_copy(z_hbm, acc.at[pl.ds(sid * ZR, ZR)])
    plsc.subcore_barrier()

    @pl.loop(0, CH)
    def _(c):
      pltpu.sync_copy(onesv, acc.at[colv.at[c]], add=True)

    plsc.subcore_barrier()
    pltpu.sync_copy(acc.at[pl.ds(sid * ZR, ZR)],
                    out_hbm.at[cid].at[pl.ds(sid * ZR, ZR)])

  return hist(col3, zeros, ones)


def _sc_gather_scatter(g, row2, col3, zeros):

  @functools.partial(
      pl.kernel,
      out_type=jax.ShapeDtypeStruct((NC, N_PAD, D), jnp.float32),
      mesh=_mesh(),
      scratch_types=[
          pltpu.VMEM((EPW,), jnp.int32),
          pltpu.VMEM((CH, K), jnp.int32),
          pltpu.VMEM((K, D), jnp.float32),
          pltpu.VMEM((K, D), jnp.float32),
          pltpu.VMEM_SHARED((N_PAD, D), jnp.float32),
          pltpu.SemaphoreType.DMA,
          pltpu.SemaphoreType.DMA,
      ],
  )
  def gs(g_hbm, row_hbm, col_hbm, z_hbm, out_hbm, rowv, colv, v0, v1, acc,
         sem0, sem1):
    cid = lax.axis_index("c")
    sid = lax.axis_index("s")
    wid = cid * NS + sid
    pltpu.sync_copy(row_hbm.at[wid], rowv)
    pltpu.sync_copy(col_hbm.at[wid], colv)
    pltpu.sync_copy(z_hbm, acc.at[pl.ds(sid * ZR, ZR)])
    plsc.subcore_barrier()

    def gather(c, buf, sem):
      return pltpu.async_copy(g_hbm.at[rowv.at[pl.ds(c * K, K)]], buf, sem)

    gather(0, v0, sem0)

    @pl.loop(0, CH - 1, step=2)
    def _(c):
      gather(c + 1, v1, sem1)
      pltpu.make_async_copy(g_hbm.at[rowv.at[pl.ds(c * K, K)]], v0,
                            sem0).wait()
      pltpu.sync_copy(v0, acc.at[colv.at[c]], add=True)
      gather(c + 2, v0, sem0)
      pltpu.make_async_copy(g_hbm.at[rowv.at[pl.ds((c + 1) * K, K)]], v1,
                            sem1).wait()
      pltpu.sync_copy(v1, acc.at[colv.at[c + 1]], add=True)

    pltpu.make_async_copy(g_hbm.at[rowv.at[pl.ds((CH - 1) * K, K)]], v0,
                          sem0).wait()
    pltpu.sync_copy(v0, acc.at[colv.at[CH - 1]], add=True)

    plsc.subcore_barrier()
    pltpu.sync_copy(acc.at[pl.ds(sid * ZR, ZR)],
                    out_hbm.at[cid].at[pl.ds(sid * ZR, ZR)])

  return gs(g, row2, col3, zeros)



def _dinv(da_ref, db_ref):
  deg = 1.0 + da_ref[0, :, 0:1] + db_ref[0, :, 0:1]
  return lax.rsqrt(deg)


def _mm_scale_body(x_ref, w_ref, da_ref, db_ref, g_ref):
  h = jnp.dot(x_ref[...], w_ref[...], preferred_element_type=jnp.float32)
  g_ref[...] = h * _dinv(da_ref, db_ref)


def _mid_body(aa_ref, ab_ref, g_ref, da_ref, db_ref, b_ref, a_ref, w_ref,
              out_ref):
  dinv = _dinv(da_ref, db_ref)
  s = (aa_ref[0] + ab_ref[0] + g_ref[...]) * dinv + b_ref[...]
  x1 = jnp.where(s >= 0, s, a_ref[...] * s)
  h = jnp.dot(x1, w_ref[...], preferred_element_type=jnp.float32)
  out_ref[...] = h * dinv


def _final_body(aa_ref, ab_ref, g_ref, da_ref, db_ref, b_ref, a_ref, out_ref):
  dinv = _dinv(da_ref, db_ref)
  s = (aa_ref[0] + ab_ref[0] + g_ref[...]) * dinv + b_ref[...]
  out_ref[...] = jnp.where(s >= 0, s, a_ref[...] * s)


def _acc_spec(core):
  return pl.BlockSpec((1, BLK, D), lambda i, c=core: (c, i, 0))


_row_spec = pl.BlockSpec((BLK, D), lambda i: (i, 0))
_w_spec = pl.BlockSpec((D, D), lambda i: (0, 0))
_vec_spec = pl.BlockSpec((1, D), lambda i: (0, 0))
_out_f32 = jax.ShapeDtypeStruct((N_NODES, D), jnp.float32)


def _tc_mm_scale(x, W, deg):
  return pl.pallas_call(
      _mm_scale_body,
      grid=(GRID,),
      in_specs=[_row_spec, _w_spec, _acc_spec(0), _acc_spec(1)],
      out_specs=_row_spec,
      out_shape=_out_f32,
  )(x, W, deg, deg)


def _tc_mid(acc, g, deg, b, a, W):
  return pl.pallas_call(
      _mid_body,
      grid=(GRID,),
      in_specs=[_acc_spec(0), _acc_spec(1), _row_spec, _acc_spec(0),
                _acc_spec(1), _vec_spec, _vec_spec, _w_spec],
      out_specs=_row_spec,
      out_shape=_out_f32,
  )(acc, acc, g, deg, deg, b, a, W)


def _tc_final(acc, g, deg, b, a):
  return pl.pallas_call(
      _final_body,
      grid=(GRID,),
      in_specs=[_acc_spec(0), _acc_spec(1), _row_spec, _acc_spec(0),
                _acc_spec(1), _vec_spec, _vec_spec],
      out_specs=_row_spec,
      out_shape=_out_f32,
  )(acc, acc, g, deg, deg, b, a)


def kernel(x, edge_index, W1, b1, W2, b2, a):
  row2 = edge_index[0].astype(jnp.int32).reshape(NW, EPW)
  col3 = edge_index[1].astype(jnp.int32).reshape(NW, CH, K)
  zeros_d = jnp.zeros((ZR, D), jnp.float32)
  ones_d = jnp.ones((K, D), jnp.float32)
  b1r = b1.reshape(1, D)
  b2r = b2.reshape(1, D)
  ar = a.reshape(1, D)

  deg = _sc_hist(col3, zeros_d, ones_d)
  g1 = _tc_mm_scale(x, W1, deg)
  acc1 = _sc_gather_scatter(g1, row2, col3, zeros_d)
  g2 = _tc_mid(acc1, g1, deg, b1r, ar, W2)
  acc2 = _sc_gather_scatter(g2, row2, col3, zeros_d)
  return _tc_final(acc2, g2, deg, b2r, ar)

# --- scband reference (transcript-rebuilt; emitter-appended) ---
"""Pipeline reference for scband-encoder3-45913200394641 (READ-ONLY COPY).

The authoritative reference and input builder live on the scoring server;
editing this copy changes nothing except your own understanding.
"""

import jax, jax.numpy as jnp
import numpy as np

N_NODES = 10000
D_IN = 128
D_HID = 128
N_EDGES = 320000


def setup_inputs(seed: int = 0) -> dict:
    key = jax.random.key(seed)
    ks = jax.random.split(key, 8)
    x = jax.random.normal(ks[0], (N_NODES, D_IN), dtype=jnp.float32)
    edge_index = jax.random.randint(ks[1], (2, N_EDGES), 0, N_NODES, dtype=jnp.int64)
    # GCNConv layer 1 params (glorot-ish init)
    W1 = jax.random.normal(ks[2], (D_IN, D_HID), dtype=jnp.float32) * (1.0 / np.sqrt(D_IN))
    b1 = jnp.zeros((D_HID,), dtype=jnp.float32)
    # GCNConv layer 2 params
    W2 = jax.random.normal(ks[3], (D_HID, D_HID), dtype=jnp.float32) * (1.0 / np.sqrt(D_HID))
    b2 = jnp.zeros((D_HID,), dtype=jnp.float32)
    # shared PReLU weight (per-channel), torch default init 0.25
    a = jnp.full((D_HID,), 0.25, dtype=jnp.float32)
    return {"x": x, "edge_index": edge_index, "W1": W1, "b1": b1, "W2": W2, "b2": b2, "a": a}


def _gcn_conv(x, edge_index, W, b, n_nodes):
    # PyG GCNConv with add_self_loops=True, symmetric normalization
    loop = jnp.arange(n_nodes, dtype=edge_index.dtype)
    row = jnp.concatenate([edge_index[0], loop])
    col = jnp.concatenate([edge_index[1], loop])
    ew = jnp.ones(row.shape[0], dtype=x.dtype)
    deg = jnp.zeros((n_nodes,), dtype=x.dtype).at[col].add(ew)
    deg_inv_sqrt = jnp.where(deg > 0, jax.lax.rsqrt(jnp.where(deg > 0, deg, 1.0)), 0.0)
    norm = deg_inv_sqrt[row] * ew * deg_inv_sqrt[col]
    h = x @ W
    msg = jnp.take(h, row, axis=0) * norm[:, None]
    out = jnp.zeros((n_nodes, W.shape[1]), dtype=x.dtype).at[col].add(msg)
    return out + b


def _prelu(x, a):
    return jnp.where(x >= 0, x, a[None, :] * x)


def reference(x, edge_index, W1, b1, W2, b2, a):
    n = x.shape[0]
    x1 = _gcn_conv(x, edge_index, W1, b1, n)
    # dropout (p=0.1) treated as identity for deterministic reference
    x1 = _prelu(x1, a)
    x1 = _gcn_conv(x1, edge_index, W2, b2, n)
    x1 = _prelu(x1, a)
    return x1

if __name__ == "__main__":
    import jax
    _d = setup_inputs()
    print(jax.jit(kernel)(*tuple(_d.values())))

</pallas_src>

<mosaic_0001>
#map = affine_map<(d0, d1) -> (0, 0)>
#map1 = affine_map<(d0, d1) -> (0, 0, 0)>
module attributes {stable_mosaic.version = 14 : i64} {
  func.func @gs(%arg0: i32, %arg1: i32, %arg2: memref<10000x128xf32, #tpu.memory_space<hbm>>, %arg3: memref<32x10000xi32, #tpu.memory_space<hbm>>, %arg4: memref<32x125x80xi32, #tpu.memory_space<hbm>>, %arg5: memref<640x128xf32, #tpu.memory_space<hbm>>, %arg6: memref<2x10240x128xf32, #tpu.memory_space<hbm>>, %arg7: memref<10000xi32, #tpu.memory_space<vmem>>, %arg8: memref<125x80xi32, #tpu.memory_space<vmem>>, %arg9: memref<80x128xf32, #tpu.memory_space<vmem>>, %arg10: memref<80x128xf32, #tpu.memory_space<vmem>>, %arg11: memref<10240x128xf32, #tpu.memory_space<vmem_shared>>, %arg12: memref<!tpu.dma_semaphore, #tpu.memory_space<semaphore_mem>>, %arg13: memref<!tpu.dma_semaphore, #tpu.memory_space<semaphore_mem>>) attributes {dimension_semantics = [#tpu.dimension_semantics<core_parallel>, #tpu.dimension_semantics<subcore_parallel>], iteration_bounds = array<i64: 2, 16>, scalar_prefetch = 0 : i64, scratch_operands = 7 : i64, tpu.core_type = #tpu.core_type<sc_vector_subcore>, window_params = [{transform_indices = #map}, {transform_indices = #map}, {transform_indices = #map1}, {transform_indices = #map}, {transform_indices = #map1}]} {
    %mul3A = arith.constant 16 : i32
    %mul3A_0 = arith.muli %arg0, %mul3A : i32
    %add3A = arith.addi %mul3A_0, %arg1 : i32
    "tpu.region"() ({
      %run_scoped3A_20 = tpu.sem_alloc : memref<!tpu.dma_semaphore, #tpu.memory_space<semaphore_mem>>
      %dma_start3A_21 = arith.constant 0 : i32
      %dma_start3A_22 = tpu.memref_slice %arg3[%add3A, %dma_start3A_21] : memref<32x10000xi32, #tpu.memory_space<hbm>> -> memref<1x10000xi32, #tpu.memory_space<hbm>>
      %dma_start3A_23 = tpu.memref_squeeze %dma_start3A_22 : memref<1x10000xi32, #tpu.memory_space<hbm>> -> memref<10000xi32, #tpu.memory_space<hbm>>
      %dma_start3A_24 = arith.constant 0 : i32
      %dma_start3A_25 = tpu.memref_slice %arg3[%add3A, %dma_start3A_24] : memref<32x10000xi32, #tpu.memory_space<hbm>> -> memref<1x10000xi32, #tpu.memory_space<hbm>>
      %dma_start3A_26 = tpu.memref_squeeze %dma_start3A_25 : memref<1x10000xi32, #tpu.memory_space<hbm>> -> memref<10000xi32, #tpu.memory_space<hbm>>
      tpu.enqueue_dma source(%dma_start3A_26 : memref<10000xi32, #tpu.memory_space<hbm>>) target(%arg7 : memref<10000xi32, #tpu.memory_space<vmem>>) target_semaphore(%run_scoped3A_20 : memref<!tpu.dma_semaphore, #tpu.memory_space<semaphore_mem>>)
      %dma_wait3A_27 = arith.constant 0 : i32
      %dma_wait3A_28 = tpu.memref_slice %arg3[%add3A, %dma_wait3A_27] : memref<32x10000xi32, #tpu.memory_space<hbm>> -> memref<1x10000xi32, #tpu.memory_space<hbm>>
      %dma_wait3A_29 = tpu.memref_squeeze %dma_wait3A_28 : memref<1x10000xi32, #tpu.memory_space<hbm>> -> memref<10000xi32, #tpu.memory_space<hbm>>
      %dma_wait3A_30 = arith.constant 0 : i32
      %dma_wait3A_31 = tpu.memref_slice %arg3[%add3A, %dma_wait3A_30] : memref<32x10000xi32, #tpu.memory_space<hbm>> -> memref<1x10000xi32, #tpu.memory_space<hbm>>
      %dma_wait3A_32 = tpu.memref_squeeze %dma_wait3A_31 : memref<1x10000xi32, #tpu.memory_space<hbm>> -> memref<10000xi32, #tpu.memory_space<hbm>>
      tpu.wait_dma2 semaphore(%run_scoped3A_20 : memref<!tpu.dma_semaphore, #tpu.memory_space<semaphore_mem>>) src(%dma_wait3A_32 : memref<10000xi32, #tpu.memory_space<hbm>>) dst(%arg7 : memref<10000xi32, #tpu.memory_space<vmem>>)
      tpu.yield
    }) : () -> ()
    "tpu.region"() ({
      %run_scoped3A_20 = tpu.sem_alloc : memref<!tpu.dma_semaphore, #tpu.memory_space<semaphore_mem>>
      %dma_start3A_21 = arith.constant 0 : i32
      %dma_start3A_22 = arith.constant 0 : i32
      %dma_start3A_23 = tpu.memref_slice %arg4[%add3A, %dma_start3A_21, %dma_start3A_22] : memref<32x125x80xi32, #tpu.memory_space<hbm>> -> memref<1x125x80xi32, #tpu.memory_space<hbm>>
      %dma_start3A_24 = tpu.memref_squeeze %dma_start3A_23 : memref<1x125x80xi32, #tpu.memory_space<hbm>> -> memref<125x80xi32, #tpu.memory_space<hbm>>
      %dma_start3A_25 = arith.constant 0 : i32
      %dma_start3A_26 = arith.constant 0 : i32
      %dma_start3A_27 = tpu.memref_slice %arg4[%add3A, %dma_start3A_25, %dma_start3A_26] : memref<32x125x80xi32, #tpu.memory_space<hbm>> -> memref<1x125x80xi32, #tpu.memory_space<hbm>>
      %dma_start3A_28 = tpu.memref_squeeze %dma_start3A_27 : memref<1x125x80xi32, #tpu.memory_space<hbm>> -> memref<125x80xi32, #tpu.memory_space<hbm>>
      tpu.enqueue_dma source(%dma_start3A_28 : memref<125x80xi32, #tpu.memory_space<hbm>>) target(%arg8 : memref<125x80xi32, #tpu.memory_space<vmem>>) target_semaphore(%run_scoped3A_20 : memref<!tpu.dma_semaphore, #tpu.memory_space<semaphore_mem>>)
      %dma_wait3A_29 = arith.constant 0 : i32
      %dma_wait3A_30 = arith.constant 0 : i32
      %dma_wait3A_31 = tpu.memref_slice %arg4[%add3A, %dma_wait3A_29, %dma_wait3A_30] : memref<32x125x80xi32, #tpu.memory_space<hbm>> -> memref<1x125x80xi32, #tpu.memory_space<hbm>>
      %dma_wait3A_32 = tpu.memref_squeeze %dma_wait3A_31 : memref<1x125x80xi32, #tpu.memory_space<hbm>> -> memref<125x80xi32, #tpu.memory_space<hbm>>
      %dma_wait3A_33 = arith.constant 0 : i32
      %dma_wait3A_34 = arith.constant 0 : i32
      %dma_wait3A_35 = tpu.memref_slice %arg4[%add3A, %dma_wait3A_33, %dma_wait3A_34] : memref<32x125x80xi32, #tpu.memory_space<hbm>> -> memref<1x125x80xi32, #tpu.memory_space<hbm>>
      %dma_wait3A_36 = tpu.memref_squeeze %dma_wait3A_35 : memref<1x125x80xi32, #tpu.memory_space<hbm>> -> memref<125x80xi32, #tpu.memory_space<hbm>>
      tpu.wait_dma2 semaphore(%run_scoped3A_20 : memref<!tpu.dma_semaphore, #tpu.memory_space<semaphore_mem>>) src(%dma_wait3A_36 : memref<125x80xi32, #tpu.memory_space<hbm>>) dst(%arg8 : memref<125x80xi32, #tpu.memory_space<vmem>>)
      tpu.yield
    }) : () -> ()
    %mul3A_1 = arith.constant 640 : i32
    %mul3A_2 = arith.muli %arg1, %mul3A_1 : i32
    "tpu.region"() ({
      %run_scoped3A_20 = tpu.sem_alloc : memref<!tpu.dma_semaphore, #tpu.memory_space<semaphore_mem>>
      %dma_start3A_21 = arith.constant 0 : i32
      %dma_start3A_22 = tpu.memref_slice %arg11[%mul3A_2, %dma_start3A_21] : memref<10240x128xf32, #tpu.memory_space<vmem_shared>> -> memref<640x128xf32, #tpu.memory_space<vmem_shared>>
      tpu.enqueue_dma source(%arg5 : memref<640x128xf32, #tpu.memory_space<hbm>>) target(%dma_start3A_22 : memref<640x128xf32, #tpu.memory_space<vmem_shared>>) target_semaphore(%run_scoped3A_20 : memref<!tpu.dma_semaphore, #tpu.memory_space<semaphore_mem>>)
      %dma_wait3A_23 = arith.constant 0 : i32
      %dma_wait3A_24 = tpu.memref_slice %arg11[%mul3A_2, %dma_wait3A_23] : memref<10240x128xf32, #tpu.memory_space<vmem_shared>> -> memref<640x128xf32, #tpu.memory_space<vmem_shared>>
      tpu.wait_dma2 semaphore(%run_scoped3A_20 : memref<!tpu.dma_semaphore, #tpu.memory_space<semaphore_mem>>) src(%arg5 : memref<640x128xf32, #tpu.memory_space<hbm>>) dst(%dma_wait3A_24 : memref<640x128xf32, #tpu.memory_space<vmem_shared>>)
      tpu.yield
    }) : () -> ()
    %barrier3A = arith.constant 0 : index
    tpu.barrier barrier_id(%barrier3A)
    %dma_start3A = arith.constant 0 : i32
    %dma_start3A_3 = tpu.memref_slice %arg7[%dma_start3A] : memref<10000xi32, #tpu.memory_space<vmem>> -> memref<80xi32, #tpu.memory_space<vmem>>
    %dma_start3A_4 = arith.constant 0 : i32
    %dma_start3A_5 = arith.constant 0 : i32
    %dma_start3A_6 = tpu.memref_slice %arg2[%dma_start3A_4, %dma_start3A_5] : memref<10000x128xf32, #tpu.memory_space<hbm>> -> memref<10000x128xf32, #tpu.memory_space<hbm>>
    tpu.enqueue_indirect_dma source(%dma_start3A_6 : memref<10000x128xf32, #tpu.memory_space<hbm>>) target(%arg9 : memref<80x128xf32, #tpu.memory_space<vmem>>) offsets(%dma_start3A_3 : memref<80xi32, #tpu.memory_space<vmem>>) semaphore(%arg12 : memref<!tpu.dma_semaphore, #tpu.memory_space<semaphore_mem>>)
    %scan3A = arith.constant 0 : i32
    %scan3A_7 = arith.constant 62 : i32
    %scan3A_8 = arith.addi %scan3A, %scan3A_7 : i32
    %scan3A_9 = arith.constant 1 : i32
    scf.for %scan3A_20 = %scan3A to %scan3A_8 step %scan3A_9  : i32 {
      %mul3A_21 = arith.constant 2 : i32
      %mul3A_22 = arith.muli %scan3A_20, %mul3A_21 : i32
      %add3A_23 = arith.constant 0 : i32
      %add3A_24 = arith.addi %add3A_23, %mul3A_22 : i32
      %add3A_25 = arith.constant 1 : i32
      %add3A_26 = arith.addi %add3A_24, %add3A_25 : i32
      %mul3A_27 = arith.constant 80 : i32
      %mul3A_28 = arith.muli %add3A_26, %mul3A_27 : i32
      %dma_start3A_29 = tpu.memref_slice %arg7[%mul3A_28] : memref<10000xi32, #tpu.memory_space<vmem>> -> memref<80xi32, #tpu.memory_space<vmem>>
      %dma_start3A_30 = arith.constant 0 : i32
      %dma_start3A_31 = arith.constant 0 : i32
      %dma_start3A_32 = tpu.memref_slice %arg2[%dma_start3A_30, %dma_start3A_31] : memref<10000x128xf32, #tpu.memory_space<hbm>> -> memref<10000x128xf32, #tpu.memory_space<hbm>>
      tpu.enqueue_indirect_dma source(%dma_start3A_32 : memref<10000x128xf32, #tpu.memory_space<hbm>>) target(%arg10 : memref<80x128xf32, #tpu.memory_space<vmem>>) offsets(%dma_start3A_29 : memref<80xi32, #tpu.memory_space<vmem>>) semaphore(%arg13 : memref<!tpu.dma_semaphore, #tpu.memory_space<semaphore_mem>>)
      %mul3A_33 = arith.constant 80 : i32
      %mul3A_34 = arith.muli %add3A_24, %mul3A_33 : i32
      %dma_wait3A_35 = tpu.memref_slice %arg7[%mul3A_34] : memref<10000xi32, #tpu.memory_space<vmem>> -> memref<80xi32, #tpu.memory_space<vmem>>
      %dma_wait3A_36 = arith.constant 0 : i32
      %dma_wait3A_37 = arith.constant 0 : i32
      %dma_wait3A_38 = tpu.memref_slice %arg2[%dma_wait3A_36, %dma_wait3A_37] : memref<10000x128xf32, #tpu.memory_space<hbm>> -> memref<10000x128xf32, #tpu.memory_space<hbm>>
      tpu.wait_indirect_dma semaphore(%arg12 : memref<!tpu.dma_semaphore, #tpu.memory_space<semaphore_mem>>) src(%dma_wait3A_38 : memref<10000x128xf32, #tpu.memory_space<hbm>>) dst(%arg9 : memref<80x128xf32, #tpu.memory_space<vmem>>)
      "tpu.region"() ({
        %run_scoped3A_57 = tpu.sem_alloc : memref<!tpu.dma_semaphore, #tpu.memory_space<semaphore_mem>>
        %dma_start3A_58 = arith.constant 0 : i32
        %dma_start3A_59 = tpu.memref_slice %arg8[%add3A_24, %dma_start3A_58] : memref<125x80xi32, #tpu.memory_space<vmem>> -> memref<1x80xi32, #tpu.memory_space<vmem>>
        %dma_start3A_60 = tpu.memref_squeeze %dma_start3A_59 : memref<1x80xi32, #tpu.memory_space<vmem>> -> memref<80xi32, #tpu.memory_space<vmem>>
        %dma_start3A_61 = arith.constant 0 : i32
        %dma_start3A_62 = arith.constant 0 : i32
        %dma_start3A_63 = tpu.memref_slice %arg11[%dma_start3A_61, %dma_start3A_62] : memref<10240x128xf32, #tpu.memory_space<vmem_shared>> -> memref<10240x128xf32, #tpu.memory_space<vmem_shared>>
        tpu.enqueue_indirect_dma source(%arg9 : memref<80x128xf32, #tpu.memory_space<vmem>>) target(%dma_start3A_63 : memref<10240x128xf32, #tpu.memory_space<vmem_shared>>) offsets(%dma_start3A_60 : memref<80xi32, #tpu.memory_space<vmem>>) semaphore(%run_scoped3A_57 : memref<!tpu.dma_semaphore, #tpu.memory_space<semaphore_mem>>) {add = true}
        %dma_wait3A_64 = arith.constant 0 : i32
        %dma_wait3A_65 = tpu.memref_slice %arg8[%add3A_24, %dma_wait3A_64] : memref<125x80xi32, #tpu.memory_space<vmem>> -> memref<1x80xi32, #tpu.memory_space<vmem>>
        %dma_wait3A_66 = tpu.memref_squeeze %dma_wait3A_65 : memref<1x80xi32, #tpu.memory_space<vmem>> -> memref<80xi32, #tpu.memory_space<vmem>>
        %dma_wait3A_67 = arith.constant 0 : i32
        %dma_wait3A_68 = arith.constant 0 : i32
        %dma_wait3A_69 = tpu.memref_slice %arg11[%dma_wait3A_67, %dma_wait3A_68] : memref<10240x128xf32, #tpu.memory_space<vmem_shared>> -> memref<10240x128xf32, #tpu.memory_space<vmem_shared>>
        tpu.wait_indirect_dma semaphore(%run_scoped3A_57 : memref<!tpu.dma_semaphore, #tpu.memory_space<semaphore_mem>>) src(%arg9 : memref<80x128xf32, #tpu.memory_space<vmem>>) dst(%dma_wait3A_69 : memref<10240x128xf32, #tpu.memory_space<vmem_shared>>)
        tpu.yield
      }) : () -> ()
      %add3A_39 = arith.constant 2 : i32
      %add3A_40 = arith.addi %add3A_24, %add3A_39 : i32
      %mul3A_41 = arith.constant 80 : i32
      %mul3A_42 = arith.muli %add3A_40, %mul3A_41 : i32
      %dma_start3A_43 = tpu.memref_slice %arg7[%mul3A_42] : memref<10000xi32, #tpu.memory_space<vmem>> -> memref<80xi32, #tpu.memory_space<vmem>>
      %dma_start3A_44 = arith.constant 0 : i32
      %dma_start3A_45 = arith.constant 0 : i32
      %dma_start3A_46 = tpu.memref_slice %arg2[%dma_start3A_44, %dma_start3A_45] : memref<10000x128xf32, #tpu.memory_space<hbm>> -> memref<10000x128xf32, #tpu.memory_space<hbm>>
      tpu.enqueue_indirect_dma source(%dma_start3A_46 : memref<10000x128xf32, #tpu.memory_space<hbm>>) target(%arg9 : memref<80x128xf32, #tpu.memory_space<vmem>>) offsets(%dma_start3A_43 : memref<80xi32, #tpu.memory_space<vmem>>) semaphore(%arg12 : memref<!tpu.dma_semaphore, #tpu.memory_space<semaphore_mem>>)
      %add3A_47 = arith.constant 1 : i32
      %add3A_48 = arith.addi %add3A_24, %add3A_47 : i32
      %mul3A_49 = arith.constant 80 : i32
      %mul3A_50 = arith.muli %add3A_48, %mul3A_49 : i32
      %dma_wait3A_51 = tpu.memref_slice %arg7[%mul3A_50] : memref<10000xi32, #tpu.memory_space<vmem>> -> memref<80xi32, #tpu.memory_space<vmem>>
      %dma_wait3A_52 = arith.constant 0 : i32
      %dma_wait3A_53 = arith.constant 0 : i32
      %dma_wait3A_54 = tpu.memref_slice %arg2[%dma_wait3A_52, %dma_wait3A_53] : memref<10000x128xf32, #tpu.memory_space<hbm>> -> memref<10000x128xf32, #tpu.memory_space<hbm>>
      tpu.wait_indirect_dma semaphore(%arg13 : memref<!tpu.dma_semaphore, #tpu.memory_space<semaphore_mem>>) src(%dma_wait3A_54 : memref<10000x128xf32, #tpu.memory_space<hbm>>) dst(%arg10 : memref<80x128xf32, #tpu.memory_space<vmem>>)
      %add3A_55 = arith.constant 1 : i32
      %add3A_56 = arith.addi %add3A_24, %add3A_55 : i32
      "tpu.region"() ({
        %run_scoped3A_57 = tpu.sem_alloc : memref<!tpu.dma_semaphore, #tpu.memory_space<semaphore_mem>>
        %dma_start3A_58 = arith.constant 0 : i32
        %dma_start3A_59 = tpu.memref_slice %arg8[%add3A_56, %dma_start3A_58] : memref<125x80xi32, #tpu.memory_space<vmem>> -> memref<1x80xi32, #tpu.memory_space<vmem>>
        %dma_start3A_60 = tpu.memref_squeeze %dma_start3A_59 : memref<1x80xi32, #tpu.memory_space<vmem>> -> memref<80xi32, #tpu.memory_space<vmem>>
        %dma_start3A_61 = arith.constant 0 : i32
        %dma_start3A_62 = arith.constant 0 : i32
        %dma_start3A_63 = tpu.memref_slice %arg11[%dma_start3A_61, %dma_start3A_62] : memref<10240x128xf32, #tpu.memory_space<vmem_shared>> -> memref<10240x128xf32, #tpu.memory_space<vmem_shared>>
        tpu.enqueue_indirect_dma source(%arg10 : memref<80x128xf32, #tpu.memory_space<vmem>>) target(%dma_start3A_63 : memref<10240x128xf32, #tpu.memory_space<vmem_shared>>) offsets(%dma_start3A_60 : memref<80xi32, #tpu.memory_space<vmem>>) semaphore(%run_scoped3A_57 : memref<!tpu.dma_semaphore, #tpu.memory_space<semaphore_mem>>) {add = true}
        %dma_wait3A_64 = arith.constant 0 : i32
        %dma_wait3A_65 = tpu.memref_slice %arg8[%add3A_56, %dma_wait3A_64] : memref<125x80xi32, #tpu.memory_space<vmem>> -> memref<1x80xi32, #tpu.memory_space<vmem>>
        %dma_wait3A_66 = tpu.memref_squeeze %dma_wait3A_65 : memref<1x80xi32, #tpu.memory_space<vmem>> -> memref<80xi32, #tpu.memory_space<vmem>>
        %dma_wait3A_67 = arith.constant 0 : i32
        %dma_wait3A_68 = arith.constant 0 : i32
        %dma_wait3A_69 = tpu.memref_slice %arg11[%dma_wait3A_67, %dma_wait3A_68] : memref<10240x128xf32, #tpu.memory_space<vmem_shared>> -> memref<10240x128xf32, #tpu.memory_space<vmem_shared>>
        tpu.wait_indirect_dma semaphore(%run_scoped3A_57 : memref<!tpu.dma_semaphore, #tpu.memory_space<semaphore_mem>>) src(%arg10 : memref<80x128xf32, #tpu.memory_space<vmem>>) dst(%dma_wait3A_69 : memref<10240x128xf32, #tpu.memory_space<vmem_shared>>)
        tpu.yield
      }) : () -> ()
    }
    %scan3A_10 = arith.constant 62 : i32
    %dma_wait3A = arith.constant 9920 : i32
    %dma_wait3A_11 = tpu.memref_slice %arg7[%dma_wait3A] : memref<10000xi32, #tpu.memory_space<vmem>> -> memref<80xi32, #tpu.memory_space<vmem>>
    %dma_wait3A_12 = arith.constant 0 : i32
    %dma_wait3A_13 = arith.constant 0 : i32
    %dma_wait3A_14 = tpu.memref_slice %arg2[%dma_wait3A_12, %dma_wait3A_13] : memref<10000x128xf32, #tpu.memory_space<hbm>> -> memref<10000x128xf32, #tpu.memory_space<hbm>>
    tpu.wait_indirect_dma semaphore(%arg12 : memref<!tpu.dma_semaphore, #tpu.memory_space<semaphore_mem>>) src(%dma_wait3A_14 : memref<10000x128xf32, #tpu.memory_space<hbm>>) dst(%arg9 : memref<80x128xf32, #tpu.memory_space<vmem>>)
    %run_scoped3A = arith.constant 124 : i32
    "tpu.region"() ({
      %run_scoped3A_20 = tpu.sem_alloc : memref<!tpu.dma_semaphore, #tpu.memory_space<semaphore_mem>>
      %dma_start3A_21 = arith.constant 0 : i32
      %dma_start3A_22 = tpu.memref_slice %arg8[%run_scoped3A, %dma_start3A_21] : memref<125x80xi32, #tpu.memory_space<vmem>> -> memref<1x80xi32, #tpu.memory_space<vmem>>
      %dma_start3A_23 = tpu.memref_squeeze %dma_start3A_22 : memref<1x80xi32, #tpu.memory_space<vmem>> -> memref<80xi32, #tpu.memory_space<vmem>>
      %dma_start3A_24 = arith.constant 0 : i32
      %dma_start3A_25 = arith.constant 0 : i32
      %dma_start3A_26 = tpu.memref_slice %arg11[%dma_start3A_24, %dma_start3A_25] : memref<10240x128xf32, #tpu.memory_space<vmem_shared>> -> memref<10240x128xf32, #tpu.memory_space<vmem_shared>>
      tpu.enqueue_indirect_dma source(%arg9 : memref<80x128xf32, #tpu.memory_space<vmem>>) target(%dma_start3A_26 : memref<10240x128xf32, #tpu.memory_space<vmem_shared>>) offsets(%dma_start3A_23 : memref<80xi32, #tpu.memory_space<vmem>>) semaphore(%run_scoped3A_20 : memref<!tpu.dma_semaphore, #tpu.memory_space<semaphore_mem>>) {add = true}
      %dma_wait3A_27 = arith.constant 0 : i32
      %dma_wait3A_28 = tpu.memref_slice %arg8[%run_scoped3A, %dma_wait3A_27] : memref<125x80xi32, #tpu.memory_space<vmem>> -> memref<1x80xi32, #tpu.memory_space<vmem>>
      %dma_wait3A_29 = tpu.memref_squeeze %dma_wait3A_28 : memref<1x80xi32, #tpu.memory_space<vmem>> -> memref<80xi32, #tpu.memory_space<vmem>>
      %dma_wait3A_30 = arith.constant 0 : i32
      %dma_wait3A_31 = arith.constant 0 : i32
      %dma_wait3A_32 = tpu.memref_slice %arg11[%dma_wait3A_30, %dma_wait3A_31] : memref<10240x128xf32, #tpu.memory_space<vmem_shared>> -> memref<10240x128xf32, #tpu.memory_space<vmem_shared>>
      tpu.wait_indirect_dma semaphore(%run_scoped3A_20 : memref<!tpu.dma_semaphore, #tpu.memory_space<semaphore_mem>>) src(%arg9 : memref<80x128xf32, #tpu.memory_space<vmem>>) dst(%dma_wait3A_32 : memref<10240x128xf32, #tpu.memory_space<vmem_shared>>)
      tpu.yield
    }) : () -> ()
    %barrier3A_15 = arith.constant 0 : index
    tpu.barrier barrier_id(%barrier3A_15)
    %mul3A_16 = arith.constant 640 : i32
    %mul3A_17 = arith.muli %arg1, %mul3A_16 : i32
    %mul3A_18 = arith.constant 640 : i32
    %mul3A_19 = arith.muli %arg1, %mul3A_18 : i32
    "tpu.region"() ({
      %run_scoped3A_20 = tpu.sem_alloc : memref<!tpu.dma_semaphore, #tpu.memory_space<semaphore_mem>>
      %dma_start3A_21 = arith.constant 0 : i32
      %dma_start3A_22 = arith.constant 0 : i32
      %dma_start3A_23 = tpu.memref_slice %arg6[%arg0, %dma_start3A_21, %dma_start3A_22] : memref<2x10240x128xf32, #tpu.memory_space<hbm>> -> memref<1x10240x128xf32, #tpu.memory_space<hbm>>
      %dma_start3A_24 = tpu.memref_squeeze %dma_start3A_23 : memref<1x10240x128xf32, #tpu.memory_space<hbm>> -> memref<10240x128xf32, #tpu.memory_space<hbm>>
      %dma_start3A_25 = arith.constant 0 : i32
      %dma_start3A_26 = tpu.memref_slice %dma_start3A_24[%mul3A_19, %dma_start3A_25] : memref<10240x128xf32, #tpu.memory_space<hbm>> -> memref<640x128xf32, #tpu.memory_space<hbm>>
      %dma_start3A_27 = arith.constant 0 : i32
      %dma_start3A_28 = tpu.memref_slice %arg11[%mul3A_17, %dma_start3A_27] : memref<10240x128xf32, #tpu.memory_space<vmem_shared>> -> memref<640x128xf32, #tpu.memory_space<vmem_shared>>
      tpu.enqueue_dma source(%dma_start3A_28 : memref<640x128xf32, #tpu.memory_space<vmem_shared>>) target(%dma_start3A_26 : memref<640x128xf32, #tpu.memory_space<hbm>>) target_semaphore(%run_scoped3A_20 : memref<!tpu.dma_semaphore, #tpu.memory_space<semaphore_mem>>)
      %dma_wait3A_29 = arith.constant 0 : i32
      %dma_wait3A_30 = arith.constant 0 : i32
      %dma_wait3A_31 = tpu.memref_slice %arg6[%arg0, %dma_wait3A_29, %dma_wait3A_30] : memref<2x10240x128xf32, #tpu.memory_space<hbm>> -> memref<1x10240x128xf32, #tpu.memory_space<hbm>>
      %dma_wait3A_32 = tpu.memref_squeeze %dma_wait3A_31 : memref<1x10240x128xf32, #tpu.memory_space<hbm>> -> memref<10240x128xf32, #tpu.memory_space<hbm>>
      %dma_wait3A_33 = arith.constant 0 : i32
      %dma_wait3A_34 = tpu.memref_slice %dma_wait3A_32[%mul3A_19, %dma_wait3A_33] : memref<10240x128xf32, #tpu.memory_space<hbm>> -> memref<640x128xf32, #tpu.memory_space<hbm>>
      %dma_wait3A_35 = arith.constant 0 : i32
      %dma_wait3A_36 = tpu.memref_slice %arg11[%mul3A_17, %dma_wait3A_35] : memref<10240x128xf32, #tpu.memory_space<vmem_shared>> -> memref<640x128xf32, #tpu.memory_space<vmem_shared>>
      tpu.wait_dma2 semaphore(%run_scoped3A_20 : memref<!tpu.dma_semaphore, #tpu.memory_space<semaphore_mem>>) src(%dma_wait3A_36 : memref<640x128xf32, #tpu.memory_space<vmem_shared>>) dst(%dma_wait3A_34 : memref<640x128xf32, #tpu.memory_space<hbm>>)
      tpu.yield
    }) : () -> ()
    return
  }
}

#map = affine_map<(d0, d1) -> (0, 0)>
#map1 = affine_map<(d0, d1) -> (0, 0, 0)>
module attributes {stable_mosaic.version = 14 : i64} {
  func.func @gs(%arg0: i32, %arg1: i32, %arg2: memref<10000x128xf32, #tpu.memory_space<hbm>>, %arg3: memref<32x10000xi32, #tpu.memory_space<hbm>>, %arg4: memref<32x125x80xi32, #tpu.memory_space<hbm>>, %arg5: memref<640x128xf32, #tpu.memory_space<hbm>>, %arg6: memref<2x10240x128xf32, #tpu.memory_space<hbm>>, %arg7: memref<10000xi32, #tpu.memory_space<vmem>>, %arg8: memref<125x80xi32, #tpu.memory_space<vmem>>, %arg9: memref<80x128xf32, #tpu.memory_space<vmem>>, %arg10: memref<80x128xf32, #tpu.memory_space<vmem>>, %arg11: memref<10240x128xf32, #tpu.memory_space<vmem_shared>>, %arg12: memref<!tpu.dma_semaphore, #tpu.memory_space<semaphore_mem>>, %arg13: memref<!tpu.dma_semaphore, #tpu.memory_space<semaphore_mem>>) attributes {dimension_semantics = [#tpu.dimension_semantics<core_parallel>, #tpu.dimension_semantics<subcore_parallel>], iteration_bounds = array<i64: 2, 16>, scalar_prefetch = 0 : i64, scratch_operands = 7 : i64, tpu.core_type = #tpu.core_type<sc_vector_subcore>, window_params = [{transform_indices = #map}, {transform_indices = #map}, {transform_indices = #map1}, {transform_indices = #map}, {transform_indices = #map1}]} {
    %mul3A = arith.constant 16 : i32
    %mul3A_0 = arith.muli %arg0, %mul3A : i32
    %add3A = arith.addi %mul3A_0, %arg1 : i32
    "tpu.region"() ({
      %run_scoped3A_20 = tpu.sem_alloc : memref<!tpu.dma_semaphore, #tpu.memory_space<semaphore_mem>>
      %dma_start3A_21 = arith.constant 0 : i32
      %dma_start3A_22 = tpu.memref_slice %arg3[%add3A, %dma_start3A_21] : memref<32x10000xi32, #tpu.memory_space<hbm>> -> memref<1x10000xi32, #tpu.memory_space<hbm>>
      %dma_start3A_23 = tpu.memref_squeeze %dma_start3A_22 : memref<1x10000xi32, #tpu.memory_space<hbm>> -> memref<10000xi32, #tpu.memory_space<hbm>>
      %dma_start3A_24 = arith.constant 0 : i32
      %dma_start3A_25 = tpu.memref_slice %arg3[%add3A, %dma_start3A_24] : memref<32x10000xi32, #tpu.memory_space<hbm>> -> memref<1x10000xi32, #tpu.memory_space<hbm>>
      %dma_start3A_26 = tpu.memref_squeeze %dma_start3A_25 : memref<1x10000xi32, #tpu.memory_space<hbm>> -> memref<10000xi32, #tpu.memory_space<hbm>>
      tpu.enqueue_dma source(%dma_start3A_26 : memref<10000xi32, #tpu.memory_space<hbm>>) target(%arg7 : memref<10000xi32, #tpu.memory_space<vmem>>) target_semaphore(%run_scoped3A_20 : memref<!tpu.dma_semaphore, #tpu.memory_space<semaphore_mem>>)
      %dma_wait3A_27 = arith.constant 0 : i32
      %dma_wait3A_28 = tpu.memref_slice %arg3[%add3A, %dma_wait3A_27] : memref<32x10000xi32, #tpu.memory_space<hbm>> -> memref<1x10000xi32, #tpu.memory_space<hbm>>
      %dma_wait3A_29 = tpu.memref_squeeze %dma_wait3A_28 : memref<1x10000xi32, #tpu.memory_space<hbm>> -> memref<10000xi32, #tpu.memory_space<hbm>>
      %dma_wait3A_30 = arith.constant 0 : i32
      %dma_wait3A_31 = tpu.memref_slice %arg3[%add3A, %dma_wait3A_30] : memref<32x10000xi32, #tpu.memory_space<hbm>> -> memref<1x10000xi32, #tpu.memory_space<hbm>>
      %dma_wait3A_32 = tpu.memref_squeeze %dma_wait3A_31 : memref<1x10000xi32, #tpu.memory_space<hbm>> -> memref<10000xi32, #tpu.memory_space<hbm>>
      tpu.wait_dma2 semaphore(%run_scoped3A_20 : memref<!tpu.dma_semaphore, #tpu.memory_space<semaphore_mem>>) src(%dma_wait3A_32 : memref<10000xi32, #tpu.memory_space<hbm>>) dst(%arg7 : memref<10000xi32, #tpu.memory_space<vmem>>)
      tpu.yield
    }) : () -> ()
    "tpu.region"() ({
      %run_scoped3A_20 = tpu.sem_alloc : memref<!tpu.dma_semaphore, #tpu.memory_space<semaphore_mem>>
      %dma_start3A_21 = arith.constant 0 : i32
      %dma_start3A_22 = arith.constant 0 : i32
      %dma_start3A_23 = tpu.memref_slice %arg4[%add3A, %dma_start3A_21, %dma_start3A_22] : memref<32x125x80xi32, #tpu.memory_space<hbm>> -> memref<1x125x80xi32, #tpu.memory_space<hbm>>
      %dma_start3A_24 = tpu.memref_squeeze %dma_start3A_23 : memref<1x125x80xi32, #tpu.memory_space<hbm>> -> memref<125x80xi32, #tpu.memory_space<hbm>>
      %dma_start3A_25 = arith.constant 0 : i32
      %dma_start3A_26 = arith.constant 0 : i32
      %dma_start3A_27 = tpu.memref_slice %arg4[%add3A, %dma_start3A_25, %dma_start3A_26] : memref<32x125x80xi32, #tpu.memory_space<hbm>> -> memref<1x125x80xi32, #tpu.memory_space<hbm>>
      %dma_start3A_28 = tpu.memref_squeeze %dma_start3A_27 : memref<1x125x80xi32, #tpu.memory_space<hbm>> -> memref<125x80xi32, #tpu.memory_space<hbm>>
      tpu.enqueue_dma source(%dma_start3A_28 : memref<125x80xi32, #tpu.memory_space<hbm>>) target(%arg8 : memref<125x80xi32, #tpu.memory_space<vmem>>) target_semaphore(%run_scoped3A_20 : memref<!tpu.dma_semaphore, #tpu.memory_space<semaphore_mem>>)
      %dma_wait3A_29 = arith.constant 0 : i32
      %dma_wait3A_30 = arith.constant 0 : i32
      %dma_wait3A_31 = tpu.memref_slice %arg4[%add3A, %dma_wait3A_29, %dma_wait3A_30] : memref<32x125x80xi32, #tpu.memory_space<hbm>> -> memref<1x125x80xi32, #tpu.memory_space<hbm>>
      %dma_wait3A_32 = tpu.memref_squeeze %dma_wait3A_31 : memref<1x125x80xi32, #tpu.memory_space<hbm>> -> memref<125x80xi32, #tpu.memory_space<hbm>>
      %dma_wait3A_33 = arith.constant 0 : i32
      %dma_wait3A_34 = arith.constant 0 : i32
      %dma_wait3A_35 = tpu.memref_slice %arg4[%add3A, %dma_wait3A_33, %dma_wait3A_34] : memref<32x125x80xi32, #tpu.memory_space<hbm>> -> memref<1x125x80xi32, #tpu.memory_space<hbm>>
      %dma_wait3A_36 = tpu.memref_squeeze %dma_wait3A_35 : memref<1x125x80xi32, #tpu.memory_space<hbm>> -> memref<125x80xi32, #tpu.memory_space<hbm>>
      tpu.wait_dma2 semaphore(%run_scoped3A_20 : memref<!tpu.dma_semaphore, #tpu.memory_space<semaphore_mem>>) src(%dma_wait3A_36 : memref<125x80xi32, #tpu.memory_space<hbm>>) dst(%arg8 : memref<125x80xi32, #tpu.memory_space<vmem>>)
      tpu.yield
    }) : () -> ()
    %mul3A_1 = arith.constant 640 : i32
    %mul3A_2 = arith.muli %arg1, %mul3A_1 : i32
    "tpu.region"() ({
      %run_scoped3A_20 = tpu.sem_alloc : memref<!tpu.dma_semaphore, #tpu.memory_space<semaphore_mem>>
      %dma_start3A_21 = arith.constant 0 : i32
      %dma_start3A_22 = tpu.memref_slice %arg11[%mul3A_2, %dma_start3A_21] : memref<10240x128xf32, #tpu.memory_space<vmem_shared>> -> memref<640x128xf32, #tpu.memory_space<vmem_shared>>
      tpu.enqueue_dma source(%arg5 : memref<640x128xf32, #tpu.memory_space<hbm>>) target(%dma_start3A_22 : memref<640x128xf32, #tpu.memory_space<vmem_shared>>) target_semaphore(%run_scoped3A_20 : memref<!tpu.dma_semaphore, #tpu.memory_space<semaphore_mem>>)
      %dma_wait3A_23 = arith.constant 0 : i32
      %dma_wait3A_24 = tpu.memref_slice %arg11[%mul3A_2, %dma_wait3A_23] : memref<10240x128xf32, #tpu.memory_space<vmem_shared>> -> memref<640x128xf32, #tpu.memory_space<vmem_shared>>
      tpu.wait_dma2 semaphore(%run_scoped3A_20 : memref<!tpu.dma_semaphore, #tpu.memory_space<semaphore_mem>>) src(%arg5 : memref<640x128xf32, #tpu.memory_space<hbm>>) dst(%dma_wait3A_24 : memref<640x128xf32, #tpu.memory_space<vmem_shared>>)
      tpu.yield
    }) : () -> ()
    %barrier3A = arith.constant 0 : index
    tpu.barrier barrier_id(%barrier3A)
    %dma_start3A = arith.constant 0 : i32
    %dma_start3A_3 = tpu.memref_slice %arg7[%dma_start3A] : memref<10000xi32, #tpu.memory_space<vmem>> -> memref<80xi32, #tpu.memory_space<vmem>>
    %dma_start3A_4 = arith.constant 0 : i32
    %dma_start3A_5 = arith.constant 0 : i32
    %dma_start3A_6 = tpu.memref_slice %arg2[%dma_start3A_4, %dma_start3A_5] : memref<10000x128xf32, #tpu.memory_space<hbm>> -> memref<10000x128xf32, #tpu.memory_space<hbm>>
    tpu.enqueue_indirect_dma source(%dma_start3A_6 : memref<10000x128xf32, #tpu.memory_space<hbm>>) target(%arg9 : memref<80x128xf32, #tpu.memory_space<vmem>>) offsets(%dma_start3A_3 : memref<80xi32, #tpu.memory_space<vmem>>) semaphore(%arg12 : memref<!tpu.dma_semaphore, #tpu.memory_space<semaphore_mem>>)
    %scan3A = arith.constant 0 : i32
    %scan3A_7 = arith.constant 62 : i32
    %scan3A_8 = arith.addi %scan3A, %scan3A_7 : i32
    %scan3A_9 = arith.constant 1 : i32
    scf.for %scan3A_20 = %scan3A to %scan3A_8 step %scan3A_9  : i32 {
      %mul3A_21 = arith.constant 2 : i32
      %mul3A_22 = arith.muli %scan3A_20, %mul3A_21 : i32
      %add3A_23 = arith.constant 0 : i32
      %add3A_24 = arith.addi %add3A_23, %mul3A_22 : i32
      %add3A_25 = arith.constant 1 : i32
      %add3A_26 = arith.addi %add3A_24, %add3A_25 : i32
      %mul3A_27 = arith.constant 80 : i32
      %mul3A_28 = arith.muli %add3A_26, %mul3A_27 : i32
      %dma_start3A_29 = tpu.memref_slice %arg7[%mul3A_28] : memref<10000xi32, #tpu.memory_space<vmem>> -> memref<80xi32, #tpu.memory_space<vmem>>
      %dma_start3A_30 = arith.constant 0 : i32
      %dma_start3A_31 = arith.constant 0 : i32
      %dma_start3A_32 = tpu.memref_slice %arg2[%dma_start3A_30, %dma_start3A_31] : memref<10000x128xf32, #tpu.memory_space<hbm>> -> memref<10000x128xf32, #tpu.memory_space<hbm>>
      tpu.enqueue_indirect_dma source(%dma_start3A_32 : memref<10000x128xf32, #tpu.memory_space<hbm>>) target(%arg10 : memref<80x128xf32, #tpu.memory_space<vmem>>) offsets(%dma_start3A_29 : memref<80xi32, #tpu.memory_space<vmem>>) semaphore(%arg13 : memref<!tpu.dma_semaphore, #tpu.memory_space<semaphore_mem>>)
      %mul3A_33 = arith.constant 80 : i32
      %mul3A_34 = arith.muli %add3A_24, %mul3A_33 : i32
      %dma_wait3A_35 = tpu.memref_slice %arg7[%mul3A_34] : memref<10000xi32, #tpu.memory_space<vmem>> -> memref<80xi32, #tpu.memory_space<vmem>>
      %dma_wait3A_36 = arith.constant 0 : i32
      %dma_wait3A_37 = arith.constant 0 : i32
      %dma_wait3A_38 = tpu.memref_slice %arg2[%dma_wait3A_36, %dma_wait3A_37] : memref<10000x128xf32, #tpu.memory_space<hbm>> -> memref<10000x128xf32, #tpu.memory_space<hbm>>
      tpu.wait_indirect_dma semaphore(%arg12 : memref<!tpu.dma_semaphore, #tpu.memory_space<semaphore_mem>>) src(%dma_wait3A_38 : memref<10000x128xf32, #tpu.memory_space<hbm>>) dst(%arg9 : memref<80x128xf32, #tpu.memory_space<vmem>>)
      "tpu.region"() ({
        %run_scoped3A_57 = tpu.sem_alloc : memref<!tpu.dma_semaphore, #tpu.memory_space<semaphore_mem>>
        %dma_start3A_58 = arith.constant 0 : i32
        %dma_start3A_59 = tpu.memref_slice %arg8[%add3A_24, %dma_start3A_58] : memref<125x80xi32, #tpu.memory_space<vmem>> -> memref<1x80xi32, #tpu.memory_space<vmem>>
        %dma_start3A_60 = tpu.memref_squeeze %dma_start3A_59 : memref<1x80xi32, #tpu.memory_space<vmem>> -> memref<80xi32, #tpu.memory_space<vmem>>
        %dma_start3A_61 = arith.constant 0 : i32
        %dma_start3A_62 = arith.constant 0 : i32
        %dma_start3A_63 = tpu.memref_slice %arg11[%dma_start3A_61, %dma_start3A_62] : memref<10240x128xf32, #tpu.memory_space<vmem_shared>> -> memref<10240x128xf32, #tpu.memory_space<vmem_shared>>
        tpu.enqueue_indirect_dma source(%arg9 : memref<80x128xf32, #tpu.memory_space<vmem>>) target(%dma_start3A_63 : memref<10240x128xf32, #tpu.memory_space<vmem_shared>>) offsets(%dma_start3A_60 : memref<80xi32, #tpu.memory_space<vmem>>) semaphore(%run_scoped3A_57 : memref<!tpu.dma_semaphore, #tpu.memory_space<semaphore_mem>>) {add = true}
        %dma_wait3A_64 = arith.constant 0 : i32
        %dma_wait3A_65 = tpu.memref_slice %arg8[%add3A_24, %dma_wait3A_64] : memref<125x80xi32, #tpu.memory_space<vmem>> -> memref<1x80xi32, #tpu.memory_space<vmem>>
        %dma_wait3A_66 = tpu.memref_squeeze %dma_wait3A_65 : memref<1x80xi32, #tpu.memory_space<vmem>> -> memref<80xi32, #tpu.memory_space<vmem>>
        %dma_wait3A_67 = arith.constant 0 : i32
        %dma_wait3A_68 = arith.constant 0 : i32
        %dma_wait3A_69 = tpu.memref_slice %arg11[%dma_wait3A_67, %dma_wait3A_68] : memref<10240x128xf32, #tpu.memory_space<vmem_shared>> -> memref<10240x128xf32, #tpu.memory_space<vmem_shared>>
        tpu.wait_indirect_dma semaphore(%run_scoped3A_57 : memref<!tpu.dma_semaphore, #tpu.memory_space<semaphore_mem>>) src(%arg9 : memref<80x128xf32, #tpu.memory_space<vmem>>) dst(%dma_wait3A_69 : memref<10240x128xf32, #tpu.memory_space<vmem_shared>>)
        tpu.yield
      }) : () -> ()
      %add3A_39 = arith.constant 2 : i32
      %add3A_40 = arith.addi %add3A_24, %add3A_39 : i32
      %mul3A_41 = arith.constant 80 : i32
      %mul3A_42 = arith.muli %add3A_40, %mul3A_41 : i32
      %dma_start3A_43 = tpu.memref_slice %arg7[%mul3A_42] : memref<10000xi32, #tpu.memory_space<vmem>> -> memref<80xi32, #tpu.memory_space<vmem>>
      %dma_start3A_44 = arith.constant 0 : i32
      %dma_start3A_45 = arith.constant 0 : i32
      %dma_start3A_46 = tpu.memref_slice %arg2[%dma_start3A_44, %dma_start3A_45] : memref<10000x128xf32, #tpu.memory_space<hbm>> -> memref<10000x128xf32, #tpu.memory_space<hbm>>
      tpu.enqueue_indirect_dma source(%dma_start3A_46 : memref<10000x128xf32, #tpu.memory_space<hbm>>) target(%arg9 : memref<80x128xf32, #tpu.memory_space<vmem>>) offsets(%dma_start3A_43 : memref<80xi32, #tpu.memory_space<vmem>>) semaphore(%arg12 : memref<!tpu.dma_semaphore, #tpu.memory_space<semaphore_mem>>)
      %add3A_47 = arith.constant 1 : i32
      %add3A_48 = arith.addi %add3A_24, %add3A_47 : i32
      %mul3A_49 = arith.constant 80 : i32
      %mul3A_50 = arith.muli %add3A_48, %mul3A_49 : i32
      %dma_wait3A_51 = tpu.memref_slice %arg7[%mul3A_50] : memref<10000xi32, #tpu.memory_space<vmem>> -> memref<80xi32, #tpu.memory_space<vmem>>
      %dma_wait3A_52 = arith.constant 0 : i32
      %dma_wait3A_53 = arith.constant 0 : i32
      %dma_wait3A_54 = tpu.memref_slice %arg2[%dma_wait3A_52, %dma_wait3A_53] : memref<10000x128xf32, #tpu.memory_space<hbm>> -> memref<10000x128xf32, #tpu.memory_space<hbm>>
      tpu.wait_indirect_dma semaphore(%arg13 : memref<!tpu.dma_semaphore, #tpu.memory_space<semaphore_mem>>) src(%dma_wait3A_54 : memref<10000x128xf32, #tpu.memory_space<hbm>>) dst(%arg10 : memref<80x128xf32, #tpu.memory_space<vmem>>)
      %add3A_55 = arith.constant 1 : i32
      %add3A_56 = arith.addi %add3A_24, %add3A_55 : i32
      "tpu.region"() ({
        %run_scoped3A_57 = tpu.sem_alloc : memref<!tpu.dma_semaphore, #tpu.memory_space<semaphore_mem>>
        %dma_start3A_58 = arith.constant 0 : i32
        %dma_start3A_59 = tpu.memref_slice %arg8[%add3A_56, %dma_start3A_58] : memref<125x80xi32, #tpu.memory_space<vmem>> -> memref<1x80xi32, #tpu.memory_space<vmem>>
        %dma_start3A_60 = tpu.memref_squeeze %dma_start3A_59 : memref<1x80xi32, #tpu.memory_space<vmem>> -> memref<80xi32, #tpu.memory_space<vmem>>
        %dma_start3A_61 = arith.constant 0 : i32
        %dma_start3A_62 = arith.constant 0 : i32
        %dma_start3A_63 = tpu.memref_slice %arg11[%dma_start3A_61, %dma_start3A_62] : memref<10240x128xf32, #tpu.memory_space<vmem_shared>> -> memref<10240x128xf32, #tpu.memory_space<vmem_shared>>
        tpu.enqueue_indirect_dma source(%arg10 : memref<80x128xf32, #tpu.memory_space<vmem>>) target(%dma_start3A_63 : memref<10240x128xf32, #tpu.memory_space<vmem_shared>>) offsets(%dma_start3A_60 : memref<80xi32, #tpu.memory_space<vmem>>) semaphore(%run_scoped3A_57 : memref<!tpu.dma_semaphore, #tpu.memory_space<semaphore_mem>>) {add = true}
        %dma_wait3A_64 = arith.constant 0 : i32
        %dma_wait3A_65 = tpu.memref_slice %arg8[%add3A_56, %dma_wait3A_64] : memref<125x80xi32, #tpu.memory_space<vmem>> -> memref<1x80xi32, #tpu.memory_space<vmem>>
        %dma_wait3A_66 = tpu.memref_squeeze %dma_wait3A_65 : memref<1x80xi32, #tpu.memory_space<vmem>> -> memref<80xi32, #tpu.memory_space<vmem>>
        %dma_wait3A_67 = arith.constant 0 : i32
        %dma_wait3A_68 = arith.constant 0 : i32
        %dma_wait3A_69 = tpu.memref_slice %arg11[%dma_wait3A_67, %dma_wait3A_68] : memref<10240x128xf32, #tpu.memory_space<vmem_shared>> -> memref<10240x128xf32, #tpu.memory_space<vmem_shared>>
        tpu.wait_indirect_dma semaphore(%run_scoped3A_57 : memref<!tpu.dma_semaphore, #tpu.memory_space<semaphore_mem>>) src(%arg10 : memref<80x128xf32, #tpu.memory_space<vmem>>) dst(%dma_wait3A_69 : memref<10240x128xf32, #tpu.memory_space<vmem_shared>>)
        tpu.yield
      }) : () -> ()
    }
    %scan3A_10 = arith.constant 62 : i32
    %dma_wait3A = arith.constant 9920 : i32
    %dma_wait3A_11 = tpu.memref_slice %arg7[%dma_wait3A] : memref<10000xi32, #tpu.memory_space<vmem>> -> memref<80xi32, #tpu.memory_space<vmem>>
    %dma_wait3A_12 = arith.constant 0 : i32
    %dma_wait3A_13 = arith.constant 0 : i32
    %dma_wait3A_14 = tpu.memref_slice %arg2[%dma_wait3A_12, %dma_wait3A_13] : memref<10000x128xf32, #tpu.memory_space<hbm>> -> memref<10000x128xf32, #tpu.memory_space<hbm>>
    tpu.wait_indirect_dma semaphore(%arg12 : memref<!tpu.dma_semaphore, #tpu.memory_space<semaphore_mem>>) src(%dma_wait3A_14 : memref<10000x128xf32, #tpu.memory_space<hbm>>) dst(%arg9 : memref<80x128xf32, #tpu.memory_space<vmem>>)
    %run_scoped3A = arith.constant 124 : i32
    "tpu.region"() ({
      %run_scoped3A_20 = tpu.sem_alloc : memref<!tpu.dma_semaphore, #tpu.memory_space<semaphore_mem>>
      %dma_start3A_21 = arith.constant 0 : i32
      %dma_start3A_22 = tpu.memref_slice %arg8[%run_scoped3A, %dma_start3A_21] : memref<125x80xi32, #tpu.memory_space<vmem>> -> memref<1x80xi32, #tpu.memory_space<vmem>>
      %dma_start3A_23 = tpu.memref_squeeze %dma_start3A_22 : memref<1x80xi32, #tpu.memory_space<vmem>> -> memref<80xi32, #tpu.memory_space<vmem>>
      %dma_start3A_24 = arith.constant 0 : i32
      %dma_start3A_25 = arith.constant 0 : i32
      %dma_start3A_26 = tpu.memref_slice %arg11[%dma_start3A_24, %dma_start3A_25] : memref<10240x128xf32, #tpu.memory_space<vmem_shared>> -> memref<10240x128xf32, #tpu.memory_space<vmem_shared>>
      tpu.enqueue_indirect_dma source(%arg9 : memref<80x128xf32, #tpu.memory_space<vmem>>) target(%dma_start3A_26 : memref<10240x128xf32, #tpu.memory_space<vmem_shared>>) offsets(%dma_start3A_23 : memref<80xi32, #tpu.memory_space<vmem>>) semaphore(%run_scoped3A_20 : memref<!tpu.dma_semaphore, #tpu.memory_space<semaphore_mem>>) {add = true}
      %dma_wait3A_27 = arith.constant 0 : i32
      %dma_wait3A_28 = tpu.memref_slice %arg8[%run_scoped3A, %dma_wait3A_27] : memref<125x80xi32, #tpu.memory_space<vmem>> -> memref<1x80xi32, #tpu.memory_space<vmem>>
      %dma_wait3A_29 = tpu.memref_squeeze %dma_wait3A_28 : memref<1x80xi32, #tpu.memory_space<vmem>> -> memref<80xi32, #tpu.memory_space<vmem>>
      %dma_wait3A_30 = arith.constant 0 : i32
      %dma_wait3A_31 = arith.constant 0 : i32
      %dma_wait3A_32 = tpu.memref_slice %arg11[%dma_wait3A_30, %dma_wait3A_31] : memref<10240x128xf32, #tpu.memory_space<vmem_shared>> -> memref<10240x128xf32, #tpu.memory_space<vmem_shared>>
      tpu.wait_indirect_dma semaphore(%run_scoped3A_20 : memref<!tpu.dma_semaphore, #tpu.memory_space<semaphore_mem>>) src(%arg9 : memref<80x128xf32, #tpu.memory_space<vmem>>) dst(%dma_wait3A_32 : memref<10240x128xf32, #tpu.memory_space<vmem_shared>>)
      tpu.yield
    }) : () -> ()
    %barrier3A_15 = arith.constant 0 : index
    tpu.barrier barrier_id(%barrier3A_15)
    %mul3A_16 = arith.constant 640 : i32
    %mul3A_17 = arith.muli %arg1, %mul3A_16 : i32
    %mul3A_18 = arith.constant 640 : i32
    %mul3A_19 = arith.muli %arg1, %mul3A_18 : i32
    "tpu.region"() ({
      %run_scoped3A_20 = tpu.sem_alloc : memref<!tpu.dma_semaphore, #tpu.memory_space<semaphore_mem>>
      %dma_start3A_21 = arith.constant 0 : i32
      %dma_start3A_22 = arith.constant 0 : i32
      %dma_start3A_23 = tpu.memref_slice %arg6[%arg0, %dma_start3A_21, %dma_start3A_22] : memref<2x10240x128xf32, #tpu.memory_space<hbm>> -> memref<1x10240x128xf32, #tpu.memory_space<hbm>>
      %dma_start3A_24 = tpu.memref_squeeze %dma_start3A_23 : memref<1x10240x128xf32, #tpu.memory_space<hbm>> -> memref<10240x128xf32, #tpu.memory_space<hbm>>
      %dma_start3A_25 = arith.constant 0 : i32
      %dma_start3A_26 = tpu.memref_slice %dma_start3A_24[%mul3A_19, %dma_start3A_25] : memref<10240x128xf32, #tpu.memory_space<hbm>> -> memref<640x128xf32, #tpu.memory_space<hbm>>
      %dma_start3A_27 = arith.constant 0 : i32
      %dma_start3A_28 = tpu.memref_slice %arg11[%mul3A_17, %dma_start3A_27] : memref<10240x128xf32, #tpu.memory_space<vmem_shared>> -> memref<640x128xf32, #tpu.memory_space<vmem_shared>>
      tpu.enqueue_dma source(%dma_start3A_28 : memref<640x128xf32, #tpu.memory_space<vmem_shared>>) target(%dma_start3A_26 : memref<640x128xf32, #tpu.memory_space<hbm>>) target_semaphore(%run_scoped3A_20 : memref<!tpu.dma_semaphore, #tpu.memory_space<semaphore_mem>>)
      %dma_wait3A_29 = arith.constant 0 : i32
      %dma_wait3A_30 = arith.constant 0 : i32
      %dma_wait3A_31 = tpu.memref_slice %arg6[%arg0, %dma_wait3A_29, %dma_wait3A_30] : memref<2x10240x128xf32, #tpu.memory_space<hbm>> -> memref<1x10240x128xf32, #tpu.memory_space<hbm>>
      %dma_wait3A_32 = tpu.memref_squeeze %dma_wait3A_31 : memref<1x10240x128xf32, #tpu.memory_space<hbm>> -> memref<10240x128xf32, #tpu.memory_space<hbm>>
      %dma_wait3A_33 = arith.constant 0 : i32
      %dma_wait3A_34 = tpu.memref_slice %dma_wait3A_32[%mul3A_19, %dma_wait3A_33] : memref<10240x128xf32, #tpu.memory_space<hbm>> -> memref<640x128xf32, #tpu.memory_space<hbm>>
      %dma_wait3A_35 = arith.constant 0 : i32
      %dma_wait3A_36 = tpu.memref_slice %arg11[%mul3A_17, %dma_wait3A_35] : memref<10240x128xf32, #tpu.memory_space<vmem_shared>> -> memref<640x128xf32, #tpu.memory_space<vmem_shared>>
      tpu.wait_dma2 semaphore(%run_scoped3A_20 : memref<!tpu.dma_semaphore, #tpu.memory_space<semaphore_mem>>) src(%dma_wait3A_36 : memref<640x128xf32, #tpu.memory_space<vmem_shared>>) dst(%dma_wait3A_34 : memref<640x128xf32, #tpu.memory_space<hbm>>)
      tpu.yield
    }) : () -> ()
    return
  }
}

#map = affine_map<(d0, d1) -> (0, 0, 0)>
#map1 = affine_map<(d0, d1) -> (0, 0)>
module attributes {stable_mosaic.version = 14 : i64} {
  func.func @hist(%arg0: i32, %arg1: i32, %arg2: memref<32x125x80xi32, #tpu.memory_space<hbm>>, %arg3: memref<640x128xf32, #tpu.memory_space<hbm>>, %arg4: memref<80x128xf32, #tpu.memory_space<hbm>>, %arg5: memref<2x10240x128xf32, #tpu.memory_space<hbm>>, %arg6: memref<125x80xi32, #tpu.memory_space<vmem>>, %arg7: memref<80x128xf32, #tpu.memory_space<vmem>>, %arg8: memref<10240x128xf32, #tpu.memory_space<vmem_shared>>) attributes {dimension_semantics = [#tpu.dimension_semantics<core_parallel>, #tpu.dimension_semantics<subcore_parallel>], iteration_bounds = array<i64: 2, 16>, scalar_prefetch = 0 : i64, scratch_operands = 3 : i64, tpu.core_type = #tpu.core_type<sc_vector_subcore>, window_params = [{transform_indices = #map}, {transform_indices = #map1}, {transform_indices = #map1}, {transform_indices = #map}]} {
    %mul3A = arith.constant 16 : i32
    %mul3A_0 = arith.muli %arg0, %mul3A : i32
    %add3A = arith.addi %mul3A_0, %arg1 : i32
    "tpu.region"() ({
      %run_scoped3A = tpu.sem_alloc : memref<!tpu.dma_semaphore, #tpu.memory_space<semaphore_mem>>
      %dma_start3A = arith.constant 0 : i32
      %dma_start3A_12 = arith.constant 0 : i32
      %dma_start3A_13 = tpu.memref_slice %arg2[%add3A, %dma_start3A, %dma_start3A_12] : memref<32x125x80xi32, #tpu.memory_space<hbm>> -> memref<1x125x80xi32, #tpu.memory_space<hbm>>
      %dma_start3A_14 = tpu.memref_squeeze %dma_start3A_13 : memref<1x125x80xi32, #tpu.memory_space<hbm>> -> memref<125x80xi32, #tpu.memory_space<hbm>>
      %dma_start3A_15 = arith.constant 0 : i32
      %dma_start3A_16 = arith.constant 0 : i32
      %dma_start3A_17 = tpu.memref_slice %arg2[%add3A, %dma_start3A_15, %dma_start3A_16] : memref<32x125x80xi32, #tpu.memory_space<hbm>> -> memref<1x125x80xi32, #tpu.memory_space<hbm>>
      %dma_start3A_18 = tpu.memref_squeeze %dma_start3A_17 : memref<1x125x80xi32, #tpu.memory_space<hbm>> -> memref<125x80xi32, #tpu.memory_space<hbm>>
      tpu.enqueue_dma source(%dma_start3A_18 : memref<125x80xi32, #tpu.memory_space<hbm>>) target(%arg6 : memref<125x80xi32, #tpu.memory_space<vmem>>) target_semaphore(%run_scoped3A : memref<!tpu.dma_semaphore, #tpu.memory_space<semaphore_mem>>)
      %dma_wait3A = arith.constant 0 : i32
      %dma_wait3A_19 = arith.constant 0 : i32
      %dma_wait3A_20 = tpu.memref_slice %arg2[%add3A, %dma_wait3A, %dma_wait3A_19] : memref<32x125x80xi32, #tpu.memory_space<hbm>> -> memref<1x125x80xi32, #tpu.memory_space<hbm>>
      %dma_wait3A_21 = tpu.memref_squeeze %dma_wait3A_20 : memref<1x125x80xi32, #tpu.memory_space<hbm>> -> memref<125x80xi32, #tpu.memory_space<hbm>>
      %dma_wait3A_22 = arith.constant 0 : i32
      %dma_wait3A_23 = arith.constant 0 : i32
      %dma_wait3A_24 = tpu.memref_slice %arg2[%add3A, %dma_wait3A_22, %dma_wait3A_23] : memref<32x125x80xi32, #tpu.memory_space<hbm>> -> memref<1x125x80xi32, #tpu.memory_space<hbm>>
      %dma_wait3A_25 = tpu.memref_squeeze %dma_wait3A_24 : memref<1x125x80xi32, #tpu.memory_space<hbm>> -> memref<125x80xi32, #tpu.memory_space<hbm>>
      tpu.wait_dma2 semaphore(%run_scoped3A : memref<!tpu.dma_semaphore, #tpu.memory_space<semaphore_mem>>) src(%dma_wait3A_25 : memref<125x80xi32, #tpu.memory_space<hbm>>) dst(%arg6 : memref<125x80xi32, #tpu.memory_space<vmem>>)
      tpu.yield
    }) : () -> ()
    "tpu.region"() ({
      %run_scoped3A = tpu.sem_alloc : memref<!tpu.dma_semaphore, #tpu.memory_space<semaphore_mem>>
      tpu.enqueue_dma source(%arg4 : memref<80x128xf32, #tpu.memory_space<hbm>>) target(%arg7 : memref<80x128xf32, #tpu.memory_space<vmem>>) target_semaphore(%run_scoped3A : memref<!tpu.dma_semaphore, #tpu.memory_space<semaphore_mem>>)
      tpu.wait_dma2 semaphore(%run_scoped3A : memref<!tpu.dma_semaphore, #tpu.memory_space<semaphore_mem>>) src(%arg4 : memref<80x128xf32, #tpu.memory_space<hbm>>) dst(%arg7 : memref<80x128xf32, #tpu.memory_space<vmem>>)
      tpu.yield
    }) : () -> ()
    %mul3A_1 = arith.constant 640 : i32
    %mul3A_2 = arith.muli %arg1, %mul3A_1 : i32
    "tpu.region"() ({
      %run_scoped3A = tpu.sem_alloc : memref<!tpu.dma_semaphore, #tpu.memory_space<semaphore_mem>>
      %dma_start3A = arith.constant 0 : i32
      %dma_start3A_12 = tpu.memref_slice %arg8[%mul3A_2, %dma_start3A] : memref<10240x128xf32, #tpu.memory_space<vmem_shared>> -> memref<640x128xf32, #tpu.memory_space<vmem_shared>>
      tpu.enqueue_dma source(%arg3 : memref<640x128xf32, #tpu.memory_space<hbm>>) target(%dma_start3A_12 : memref<640x128xf32, #tpu.memory_space<vmem_shared>>) target_semaphore(%run_scoped3A : memref<!tpu.dma_semaphore, #tpu.memory_space<semaphore_mem>>)
      %dma_wait3A = arith.constant 0 : i32
      %dma_wait3A_13 = tpu.memref_slice %arg8[%mul3A_2, %dma_wait3A] : memref<10240x128xf32, #tpu.memory_space<vmem_shared>> -> memref<640x128xf32, #tpu.memory_space<vmem_shared>>
      tpu.wait_dma2 semaphore(%run_scoped3A : memref<!tpu.dma_semaphore, #tpu.memory_space<semaphore_mem>>) src(%arg3 : memref<640x128xf32, #tpu.memory_space<hbm>>) dst(%dma_wait3A_13 : memref<640x128xf32, #tpu.memory_space<vmem_shared>>)
      tpu.yield
    }) : () -> ()
    %barrier3A = arith.constant 0 : index
    tpu.barrier barrier_id(%barrier3A)
    %scan3A = arith.constant 0 : i32
    %scan3A_3 = arith.constant 125 : i32
    %scan3A_4 = arith.addi %scan3A, %scan3A_3 : i32
    %scan3A_5 = arith.constant 1 : i32
    scf.for %scan3A_12 = %scan3A to %scan3A_4 step %scan3A_5  : i32 {
      %mul3A_13 = arith.constant 1 : i32
      %mul3A_14 = arith.muli %scan3A_12, %mul3A_13 : i32
      %add3A_15 = arith.constant 0 : i32
      %add3A_16 = arith.addi %add3A_15, %mul3A_14 : i32
      "tpu.region"() ({
        %run_scoped3A = tpu.sem_alloc : memref<!tpu.dma_semaphore, #tpu.memory_space<semaphore_mem>>
        %dma_start3A = arith.constant 0 : i32
        %dma_start3A_17 = tpu.memref_slice %arg6[%add3A_16, %dma_start3A] : memref<125x80xi32, #tpu.memory_space<vmem>> -> memref<1x80xi32, #tpu.memory_space<vmem>>
        %dma_start3A_18 = tpu.memref_squeeze %dma_start3A_17 : memref<1x80xi32, #tpu.memory_space<vmem>> -> memref<80xi32, #tpu.memory_space<vmem>>
        %dma_start3A_19 = arith.constant 0 : i32
        %dma_start3A_20 = arith.constant 0 : i32
        %dma_start3A_21 = tpu.memref_slice %arg8[%dma_start3A_19, %dma_start3A_20] : memref<10240x128xf32, #tpu.memory_space<vmem_shared>> -> memref<10240x128xf32, #tpu.memory_space<vmem_shared>>
        tpu.enqueue_indirect_dma source(%arg7 : memref<80x128xf32, #tpu.memory_space<vmem>>) target(%dma_start3A_21 : memref<10240x128xf32, #tpu.memory_space<vmem_shared>>) offsets(%dma_start3A_18 : memref<80xi32, #tpu.memory_space<vmem>>) semaphore(%run_scoped3A : memref<!tpu.dma_semaphore, #tpu.memory_space<semaphore_mem>>) {add = true}
        %dma_wait3A = arith.constant 0 : i32
        %dma_wait3A_22 = tpu.memref_slice %arg6[%add3A_16, %dma_wait3A] : memref<125x80xi32, #tpu.memory_space<vmem>> -> memref<1x80xi32, #tpu.memory_space<vmem>>
        %dma_wait3A_23 = tpu.memref_squeeze %dma_wait3A_22 : memref<1x80xi32, #tpu.memory_space<vmem>> -> memref<80xi32, #tpu.memory_space<vmem>>
        %dma_wait3A_24 = arith.constant 0 : i32
        %dma_wait3A_25 = arith.constant 0 : i32
        %dma_wait3A_26 = tpu.memref_slice %arg8[%dma_wait3A_24, %dma_wait3A_25] : memref<10240x128xf32, #tpu.memory_space<vmem_shared>> -> memref<10240x128xf32, #tpu.memory_space<vmem_shared>>
        tpu.wait_indirect_dma semaphore(%run_scoped3A : memref<!tpu.dma_semaphore, #tpu.memory_space<semaphore_mem>>) src(%arg7 : memref<80x128xf32, #tpu.memory_space<vmem>>) dst(%dma_wait3A_26 : memref<10240x128xf32, #tpu.memory_space<vmem_shared>>)
        tpu.yield
      }) : () -> ()
    }
    %scan3A_6 = arith.constant 125 : i32
    %barrier3A_7 = arith.constant 0 : index
    tpu.barrier barrier_id(%barrier3A_7)
    %mul3A_8 = arith.constant 640 : i32
    %mul3A_9 = arith.muli %arg1, %mul3A_8 : i32
    %mul3A_10 = arith.constant 640 : i32
    %mul3A_11 = arith.muli %arg1, %mul3A_10 : i32
    "tpu.region"() ({
      %run_scoped3A = tpu.sem_alloc : memref<!tpu.dma_semaphore, #tpu.memory_space<semaphore_mem>>
      %dma_start3A = arith.constant 0 : i32
      %dma_start3A_12 = arith.constant 0 : i32
      %dma_start3A_13 = tpu.memref_slice %arg5[%arg0, %dma_start3A, %dma_start3A_12] : memref<2x10240x128xf32, #tpu.memory_space<hbm>> -> memref<1x10240x128xf32, #tpu.memory_space<hbm>>
      %dma_start3A_14 = tpu.memref_squeeze %dma_start3A_13 : memref<1x10240x128xf32, #tpu.memory_space<hbm>> -> memref<10240x128xf32, #tpu.memory_space<hbm>>
      %dma_start3A_15 = arith.constant 0 : i32
      %dma_start3A_16 = tpu.memref_slice %dma_start3A_14[%mul3A_11, %dma_start3A_15] : memref<10240x128xf32, #tpu.memory_space<hbm>> -> memref<640x128xf32, #tpu.memory_space<hbm>>
      %dma_start3A_17 = arith.constant 0 : i32
      %dma_start3A_18 = tpu.memref_slice %arg8[%mul3A_9, %dma_start3A_17] : memref<10240x128xf32, #tpu.memory_space<vmem_shared>> -> memref<640x128xf32, #tpu.memory_space<vmem_shared>>
      tpu.enqueue_dma source(%dma_start3A_18 : memref<640x128xf32, #tpu.memory_space<vmem_shared>>) target(%dma_start3A_16 : memref<640x128xf32, #tpu.memory_space<hbm>>) target_semaphore(%run_scoped3A : memref<!tpu.dma_semaphore, #tpu.memory_space<semaphore_mem>>)
      %dma_wait3A = arith.constant 0 : i32
      %dma_wait3A_19 = arith.constant 0 : i32
      %dma_wait3A_20 = tpu.memref_slice %arg5[%arg0, %dma_wait3A, %dma_wait3A_19] : memref<2x10240x128xf32, #tpu.memory_space<hbm>> -> memref<1x10240x128xf32, #tpu.memory_space<hbm>>
      %dma_wait3A_21 = tpu.memref_squeeze %dma_wait3A_20 : memref<1x10240x128xf32, #tpu.memory_space<hbm>> -> memref<10240x128xf32, #tpu.memory_space<hbm>>
      %dma_wait3A_22 = arith.constant 0 : i32
      %dma_wait3A_23 = tpu.memref_slice %dma_wait3A_21[%mul3A_11, %dma_wait3A_22] : memref<10240x128xf32, #tpu.memory_space<hbm>> -> memref<640x128xf32, #tpu.memory_space<hbm>>
      %dma_wait3A_24 = arith.constant 0 : i32
      %dma_wait3A_25 = tpu.memref_slice %arg8[%mul3A_9, %dma_wait3A_24] : memref<10240x128xf32, #tpu.memory_space<vmem_shared>> -> memref<640x128xf32, #tpu.memory_space<vmem_shared>>
      tpu.wait_dma2 semaphore(%run_scoped3A : memref<!tpu.dma_semaphore, #tpu.memory_space<semaphore_mem>>) src(%dma_wait3A_25 : memref<640x128xf32, #tpu.memory_space<vmem_shared>>) dst(%dma_wait3A_23 : memref<640x128xf32, #tpu.memory_space<hbm>>)
      tpu.yield
    }) : () -> ()
    return
  }
}

module attributes {stable_mosaic.version = 14 : i64} {
  func.func @_mm_scale_body(%arg0: i32, %arg1: memref<400x128xf32, #tpu.memory_space<vmem>>, %arg2: memref<128x128xf32, #tpu.memory_space<vmem>>, %arg3: memref<1x400x128xf32, #tpu.memory_space<vmem>>, %arg4: memref<1x400x128xf32, #tpu.memory_space<vmem>>, %arg5: memref<400x128xf32, #tpu.memory_space<vmem>>) attributes {dimension_semantics = [#tpu.dimension_semantics<arbitrary>], iteration_bounds = array<i64: 25>, scalar_prefetch = 0 : i64, scratch_operands = 0 : i64, tpu.core_type = #tpu.core_type<tc>, window_params = [{transform_indices = @transform_0, window_bounds = array<i64: 400, 128>}, {pipeline_mode = #tpu.pipeline_mode<synchronous>, transform_indices = @transform_1, window_bounds = array<i64: 128, 128>}, {transform_indices = @transform_2, window_bounds = array<i64: 1, 400, 128>}, {transform_indices = @transform_3, window_bounds = array<i64: 1, 400, 128>}, {transform_indices = @transform_4, window_bounds = array<i64: 400, 128>}]} {
    %get3A = arith.constant 0 : index
    %get3A_0 = arith.constant 0 : index
    %get3A_1 = vector.load %arg1[%get3A, %get3A_0] : memref<400x128xf32, #tpu.memory_space<vmem>>, vector<400x128xf32>
    %get3A_2 = arith.constant 0 : index
    %get3A_3 = arith.constant 0 : index
    %get3A_4 = vector.load %arg2[%get3A_2, %get3A_3] : memref<128x128xf32, #tpu.memory_space<vmem>>, vector<128x128xf32>
    %dot_general3A = arith.constant dense<0.000000e+00> : vector<400x128xf32>
    %dot_general3A_5 = tpu.matmul %get3A_1, %get3A_4, %dot_general3A {dimension_numbers = #tpu.dot_dimension_numbers<[1], [0], [0], [1], [0, 0, 1, 1], [], []>, transpose_lhs_hint = false} : vector<400x128xf32>, vector<128x128xf32>, vector<400x128xf32> -> vector<400x128xf32>
    %get3A_6 = arith.constant 0 : index
    %get3A_7 = arith.constant 0 : index
    %get3A_8 = arith.constant 0 : index
    %get3A_9 = vector.load %arg3[%get3A_6, %get3A_7, %get3A_8] : memref<1x400x128xf32, #tpu.memory_space<vmem>>, vector<1x400x1xf32>
    %get3A_10 = vector.shape_cast %get3A_9 : vector<1x400x1xf32> to vector<400x1xf32>
    %add3A = arith.constant 1.000000e+00 : f32
    %add3A_11 = vector.broadcast %add3A : f32 to vector<400x1xf32>
    %add3A_12 = arith.addf %add3A_11, %get3A_10 : vector<400x1xf32>
    %get3A_13 = arith.constant 0 : index
    %get3A_14 = arith.constant 0 : index
    %get3A_15 = arith.constant 0 : index
    %get3A_16 = vector.load %arg4[%get3A_13, %get3A_14, %get3A_15] : memref<1x400x128xf32, #tpu.memory_space<vmem>>, vector<1x400x1xf32>
    %get3A_17 = vector.shape_cast %get3A_16 : vector<1x400x1xf32> to vector<400x1xf32>
    %add3A_18 = arith.addf %add3A_12, %get3A_17 : vector<400x1xf32>
    %rsqrt3A = math.rsqrt %add3A_18 : vector<400x1xf32>
    %mul3A = vector.broadcast %rsqrt3A : vector<400x1xf32> to vector<400x128xf32>
    %mul3A_19 = arith.mulf %dot_general3A_5, %mul3A : vector<400x128xf32>
    %swap3A = arith.constant 0 : index
    %swap3A_20 = arith.constant 0 : index
    %swap3A_21 = vector.load %arg5[%swap3A, %swap3A_20] : memref<400x128xf32, #tpu.memory_space<vmem>>, vector<400x128xf32>
    tpu.vector_store %arg5[%swap3A, %swap3A_20], %mul3A_19 {strides = array<i32>} : memref<400x128xf32, #tpu.memory_space<vmem>>, vector<400x128xf32>,
    return
  }
  func.func @transform_0(%arg0: i32) -> (i32, i32) {
    %c0_i32 = arith.constant 0 : i32
    %c0_i32_0 = arith.constant 0 : i32
    return %arg0, %c0_i32 : i32, i32
  }
  func.func @transform_1(%arg0: i32) -> (i32, i32) {
    %c0_i32 = arith.constant 0 : i32
    %c0_i32_0 = arith.constant 0 : i32
    %c0_i32_1 = arith.constant 0 : i32
    return %c0_i32, %c0_i32_0 : i32, i32
  }
  func.func @transform_2(%arg0: i32) -> (i32, i32, i32) {
    %c0_i32 = arith.constant 0 : i32
    %c0_i32_0 = arith.constant 0 : i32
    %c0_i32_1 = arith.constant 0 : i32
    return %c0_i32, %arg0, %c0_i32_0 : i32, i32, i32
  }
  func.func @transform_3(%arg0: i32) -> (i32, i32, i32) {
    %c1_i32 = arith.constant 1 : i32
    %c0_i32 = arith.constant 0 : i32
    %c0_i32_0 = arith.constant 0 : i32
    return %c1_i32, %arg0, %c0_i32 : i32, i32, i32
  }
  func.func @transform_4(%arg0: i32) -> (i32, i32) {
    %c0_i32 = arith.constant 0 : i32
    %c0_i32_0 = arith.constant 0 : i32
    return %arg0, %c0_i32 : i32, i32
  }
}

module attributes {stable_mosaic.version = 14 : i64} {
  func.func @_mid_body(%arg0: i32, %arg1: memref<1x400x128xf32, #tpu.memory_space<vmem>>, %arg2: memref<1x400x128xf32, #tpu.memory_space<vmem>>, %arg3: memref<400x128xf32, #tpu.memory_space<vmem>>, %arg4: memref<1x400x128xf32, #tpu.memory_space<vmem>>, %arg5: memref<1x400x128xf32, #tpu.memory_space<vmem>>, %arg6: memref<1x128xf32, #tpu.memory_space<vmem>>, %arg7: memref<1x128xf32, #tpu.memory_space<vmem>>, %arg8: memref<128x128xf32, #tpu.memory_space<vmem>>, %arg9: memref<400x128xf32, #tpu.memory_space<vmem>>) attributes {dimension_semantics = [#tpu.dimension_semantics<arbitrary>], iteration_bounds = array<i64: 25>, scalar_prefetch = 0 : i64, scratch_operands = 0 : i64, tpu.core_type = #tpu.core_type<tc>, window_params = [{transform_indices = @transform_0, window_bounds = array<i64: 1, 400, 128>}, {transform_indices = @transform_1, window_bounds = array<i64: 1, 400, 128>}, {transform_indices = @transform_2, window_bounds = array<i64: 400, 128>}, {transform_indices = @transform_3, window_bounds = array<i64: 1, 400, 128>}, {transform_indices = @transform_4, window_bounds = array<i64: 1, 400, 128>}, {pipeline_mode = #tpu.pipeline_mode<synchronous>, transform_indices = @transform_5, window_bounds = array<i64: 1, 128>}, {pipeline_mode = #tpu.pipeline_mode<synchronous>, transform_indices = @transform_6, window_bounds = array<i64: 1, 128>}, {pipeline_mode = #tpu.pipeline_mode<synchronous>, transform_indices = @transform_7, window_bounds = array<i64: 128, 128>}, {transform_indices = @transform_8, window_bounds = array<i64: 400, 128>}]} {
    %get3A = arith.constant 0 : index
    %get3A_0 = arith.constant 0 : index
    %get3A_1 = arith.constant 0 : index
    %get3A_2 = vector.load %arg4[%get3A, %get3A_0, %get3A_1] : memref<1x400x128xf32, #tpu.memory_space<vmem>>, vector<1x400x1xf32>
    %get3A_3 = vector.shape_cast %get3A_2 : vector<1x400x1xf32> to vector<400x1xf32>
    %add3A = arith.constant 1.000000e+00 : f32
    %add3A_4 = vector.broadcast %add3A : f32 to vector<400x1xf32>
    %add3A_5 = arith.addf %add3A_4, %get3A_3 : vector<400x1xf32>
    %get3A_6 = arith.constant 0 : index
    %get3A_7 = arith.constant 0 : index
    %get3A_8 = arith.constant 0 : index
    %get3A_9 = vector.load %arg5[%get3A_6, %get3A_7, %get3A_8] : memref<1x400x128xf32, #tpu.memory_space<vmem>>, vector<1x400x1xf32>
    %get3A_10 = vector.shape_cast %get3A_9 : vector<1x400x1xf32> to vector<400x1xf32>
    %add3A_11 = arith.addf %add3A_5, %get3A_10 : vector<400x1xf32>
    %rsqrt3A = math.rsqrt %add3A_11 : vector<400x1xf32>
    %get3A_12 = arith.constant 0 : index
    %get3A_13 = arith.constant 0 : index
    %get3A_14 = arith.constant 0 : index
    %get3A_15 = vector.load %arg1[%get3A_12, %get3A_13, %get3A_14] : memref<1x400x128xf32, #tpu.memory_space<vmem>>, vector<1x400x128xf32>
    %get3A_16 = vector.shape_cast %get3A_15 : vector<1x400x128xf32> to vector<400x128xf32>
    %get3A_17 = arith.constant 0 : index
    %get3A_18 = arith.constant 0 : index
    %get3A_19 = arith.constant 0 : index
    %get3A_20 = vector.load %arg2[%get3A_17, %get3A_18, %get3A_19] : memref<1x400x128xf32, #tpu.memory_space<vmem>>, vector<1x400x128xf32>
    %get3A_21 = vector.shape_cast %get3A_20 : vector<1x400x128xf32> to vector<400x128xf32>
    %add3A_22 = arith.addf %get3A_16, %get3A_21 : vector<400x128xf32>
    %get3A_23 = arith.constant 0 : index
    %get3A_24 = arith.constant 0 : index
    %get3A_25 = vector.load %arg3[%get3A_23, %get3A_24] : memref<400x128xf32, #tpu.memory_space<vmem>>, vector<400x128xf32>
    %add3A_26 = arith.addf %add3A_22, %get3A_25 : vector<400x128xf32>
    %mul3A = vector.broadcast %rsqrt3A : vector<400x1xf32> to vector<400x128xf32>
    %mul3A_27 = arith.mulf %add3A_26, %mul3A : vector<400x128xf32>
    %get3A_28 = arith.constant 0 : index
    %get3A_29 = arith.constant 0 : index
    %get3A_30 = vector.load %arg6[%get3A_28, %get3A_29] : memref<1x128xf32, #tpu.memory_space<vmem>>, vector<1x128xf32>
    %add3A_31 = vector.broadcast %get3A_30 : vector<1x128xf32> to vector<400x128xf32>
    %add3A_32 = arith.addf %mul3A_27, %add3A_31 : vector<400x128xf32>
    %ge3A = arith.constant 0.000000e+00 : f32
    %ge3A_33 = vector.broadcast %ge3A : f32 to vector<400x128xf32>
    %ge3A_34 = arith.cmpf oge, %add3A_32, %ge3A_33 : vector<400x128xf32>
    %get3A_35 = arith.constant 0 : index
    %get3A_36 = arith.constant 0 : index
    %get3A_37 = vector.load %arg7[%get3A_35, %get3A_36] : memref<1x128xf32, #tpu.memory_space<vmem>>, vector<1x128xf32>
    %mul3A_38 = vector.broadcast %get3A_37 : vector<1x128xf32> to vector<400x128xf32>
    %mul3A_39 = arith.mulf %mul3A_38, %add3A_32 : vector<400x128xf32>
    %select_n3A = arith.select %ge3A_34, %add3A_32, %mul3A_39 : vector<400x128xi1>, vector<400x128xf32>
    %get3A_40 = arith.constant 0 : index
    %get3A_41 = arith.constant 0 : index
    %get3A_42 = vector.load %arg8[%get3A_40, %get3A_41] : memref<128x128xf32, #tpu.memory_space<vmem>>, vector<128x128xf32>
    %dot_general3A = arith.constant dense<0.000000e+00> : vector<400x128xf32>
    %dot_general3A_43 = tpu.matmul %select_n3A, %get3A_42, %dot_general3A {dimension_numbers = #tpu.dot_dimension_numbers<[1], [0], [0], [1], [0, 0, 1, 1], [], []>, transpose_lhs_hint = false} : vector<400x128xf32>, vector<128x128xf32>, vector<400x128xf32> -> vector<400x128xf32>
    %mul3A_44 = vector.broadcast %rsqrt3A : vector<400x1xf32> to vector<400x128xf32>
    %mul3A_45 = arith.mulf %dot_general3A_43, %mul3A_44 : vector<400x128xf32>
    %swap3A = arith.constant 0 : index
    %swap3A_46 = arith.constant 0 : index
    %swap3A_47 = vector.load %arg9[%swap3A, %swap3A_46] : memref<400x128xf32, #tpu.memory_space<vmem>>, vector<400x128xf32>
    tpu.vector_store %arg9[%swap3A, %swap3A_46], %mul3A_45 {strides = array<i32>} : memref<400x128xf32, #tpu.memory_space<vmem>>, vector<400x128xf32>,
    return
  }
  func.func @transform_0(%arg0: i32) -> (i32, i32, i32) {
    %c0_i32 = arith.constant 0 : i32
    %c0_i32_0 = arith.constant 0 : i32
    %c0_i32_1 = arith.constant 0 : i32
    return %c0_i32, %arg0, %c0_i32_0 : i32, i32, i32
  }
  func.func @transform_1(%arg0: i32) -> (i32, i32, i32) {
    %c1_i32 = arith.constant 1 : i32
    %c0_i32 = arith.constant 0 : i32
    %c0_i32_0 = arith.constant 0 : i32
    return %c1_i32, %arg0, %c0_i32 : i32, i32, i32
  }
  func.func @transform_2(%arg0: i32) -> (i32, i32) {
    %c0_i32 = arith.constant 0 : i32
    %c0_i32_0 = arith.constant 0 : i32
    return %arg0, %c0_i32 : i32, i32
  }
  func.func @transform_3(%arg0: i32) -> (i32, i32, i32) {
    %c0_i32 = arith.constant 0 : i32
    %c0_i32_0 = arith.constant 0 : i32
    %c0_i32_1 = arith.constant 0 : i32
    return %c0_i32, %arg0, %c0_i32_0 : i32, i32, i32
  }
  func.func @transform_4(%arg0: i32) -> (i32, i32, i32) {
    %c1_i32 = arith.constant 1 : i32
    %c0_i32 = arith.constant 0 : i32
    %c0_i32_0 = arith.constant 0 : i32
    return %c1_i32, %arg0, %c0_i32 : i32, i32, i32
  }
  func.func @transform_5(%arg0: i32) -> (i32, i32) {
    %c0_i32 = arith.constant 0 : i32
    %c0_i32_0 = arith.constant 0 : i32
    %c0_i32_1 = arith.constant 0 : i32
    return %c0_i32, %c0_i32_0 : i32, i32
  }
  func.func @transform_6(%arg0: i32) -> (i32, i32) {
    %c0_i32 = arith.constant 0 : i32
    %c0_i32_0 = arith.constant 0 : i32
    %c0_i32_1 = arith.constant 0 : i32
    return %c0_i32, %c0_i32_0 : i32, i32
  }
  func.func @transform_7(%arg0: i32) -> (i32, i32) {
    %c0_i32 = arith.constant 0 : i32
    %c0_i32_0 = arith.constant 0 : i32
    %c0_i32_1 = arith.constant 0 : i32
    return %c0_i32, %c0_i32_0 : i32, i32
  }
  func.func @transform_8(%arg0: i32) -> (i32, i32) {
    %c0_i32 = arith.constant 0 : i32
    %c0_i32_0 = arith.constant 0 : i32
    return %arg0, %c0_i32 : i32, i32
  }
}

module attributes {stable_mosaic.version = 14 : i64} {
  func.func @_final_body(%arg0: i32, %arg1: memref<1x400x128xf32, #tpu.memory_space<vmem>>, %arg2: memref<1x400x128xf32, #tpu.memory_space<vmem>>, %arg3: memref<400x128xf32, #tpu.memory_space<vmem>>, %arg4: memref<1x400x128xf32, #tpu.memory_space<vmem>>, %arg5: memref<1x400x128xf32, #tpu.memory_space<vmem>>, %arg6: memref<1x128xf32, #tpu.memory_space<vmem>>, %arg7: memref<1x128xf32, #tpu.memory_space<vmem>>, %arg8: memref<400x128xf32, #tpu.memory_space<vmem>>) attributes {dimension_semantics = [#tpu.dimension_semantics<arbitrary>], iteration_bounds = array<i64: 25>, scalar_prefetch = 0 : i64, scratch_operands = 0 : i64, tpu.core_type = #tpu.core_type<tc>, window_params = [{transform_indices = @transform_0, window_bounds = array<i64: 1, 400, 128>}, {transform_indices = @transform_1, window_bounds = array<i64: 1, 400, 128>}, {transform_indices = @transform_2, window_bounds = array<i64: 400, 128>}, {transform_indices = @transform_3, window_bounds = array<i64: 1, 400, 128>}, {transform_indices = @transform_4, window_bounds = array<i64: 1, 400, 128>}, {pipeline_mode = #tpu.pipeline_mode<synchronous>, transform_indices = @transform_5, window_bounds = array<i64: 1, 128>}, {pipeline_mode = #tpu.pipeline_mode<synchronous>, transform_indices = @transform_6, window_bounds = array<i64: 1, 128>}, {transform_indices = @transform_7, window_bounds = array<i64: 400, 128>}]} {
    %get3A = arith.constant 0 : index
    %get3A_0 = arith.constant 0 : index
    %get3A_1 = arith.constant 0 : index
    %get3A_2 = vector.load %arg4[%get3A, %get3A_0, %get3A_1] : memref<1x400x128xf32, #tpu.memory_space<vmem>>, vector<1x400x1xf32>
    %get3A_3 = vector.shape_cast %get3A_2 : vector<1x400x1xf32> to vector<400x1xf32>
    %add3A = arith.constant 1.000000e+00 : f32
    %add3A_4 = vector.broadcast %add3A : f32 to vector<400x1xf32>
    %add3A_5 = arith.addf %add3A_4, %get3A_3 : vector<400x1xf32>
    %get3A_6 = arith.constant 0 : index
    %get3A_7 = arith.constant 0 : index
    %get3A_8 = arith.constant 0 : index
    %get3A_9 = vector.load %arg5[%get3A_6, %get3A_7, %get3A_8] : memref<1x400x128xf32, #tpu.memory_space<vmem>>, vector<1x400x1xf32>
    %get3A_10 = vector.shape_cast %get3A_9 : vector<1x400x1xf32> to vector<400x1xf32>
    %add3A_11 = arith.addf %add3A_5, %get3A_10 : vector<400x1xf32>
    %rsqrt3A = math.rsqrt %add3A_11 : vector<400x1xf32>
    %get3A_12 = arith.constant 0 : index
    %get3A_13 = arith.constant 0 : index
    %get3A_14 = arith.constant 0 : index
    %get3A_15 = vector.load %arg1[%get3A_12, %get3A_13, %get3A_14] : memref<1x400x128xf32, #tpu.memory_space<vmem>>, vector<1x400x128xf32>
    %get3A_16 = vector.shape_cast %get3A_15 : vector<1x400x128xf32> to vector<400x128xf32>
    %get3A_17 = arith.constant 0 : index
    %get3A_18 = arith.constant 0 : index
    %get3A_19 = arith.constant 0 : index
    %get3A_20 = vector.load %arg2[%get3A_17, %get3A_18, %get3A_19] : memref<1x400x128xf32, #tpu.memory_space<vmem>>, vector<1x400x128xf32>
    %get3A_21 = vector.shape_cast %get3A_20 : vector<1x400x128xf32> to vector<400x128xf32>
    %add3A_22 = arith.addf %get3A_16, %get3A_21 : vector<400x128xf32>
    %get3A_23 = arith.constant 0 : index
    %get3A_24 = arith.constant 0 : index
    %get3A_25 = vector.load %arg3[%get3A_23, %get3A_24] : memref<400x128xf32, #tpu.memory_space<vmem>>, vector<400x128xf32>
    %add3A_26 = arith.addf %add3A_22, %get3A_25 : vector<400x128xf32>
    %mul3A = vector.broadcast %rsqrt3A : vector<400x1xf32> to vector<400x128xf32>
    %mul3A_27 = arith.mulf %add3A_26, %mul3A : vector<400x128xf32>
    %get3A_28 = arith.constant 0 : index
    %get3A_29 = arith.constant 0 : index
    %get3A_30 = vector.load %arg6[%get3A_28, %get3A_29] : memref<1x128xf32, #tpu.memory_space<vmem>>, vector<1x128xf32>
    %add3A_31 = vector.broadcast %get3A_30 : vector<1x128xf32> to vector<400x128xf32>
    %add3A_32 = arith.addf %mul3A_27, %add3A_31 : vector<400x128xf32>
    %ge3A = arith.constant 0.000000e+00 : f32
    %ge3A_33 = vector.broadcast %ge3A : f32 to vector<400x128xf32>
    %ge3A_34 = arith.cmpf oge, %add3A_32, %ge3A_33 : vector<400x128xf32>
    %get3A_35 = arith.constant 0 : index
    %get3A_36 = arith.constant 0 : index
    %get3A_37 = vector.load %arg7[%get3A_35, %get3A_36] : memref<1x128xf32, #tpu.memory_space<vmem>>, vector<1x128xf32>
    %mul3A_38 = vector.broadcast %get3A_37 : vector<1x128xf32> to vector<400x128xf32>
    %mul3A_39 = arith.mulf %mul3A_38, %add3A_32 : vector<400x128xf32>
    %select_n3A = arith.select %ge3A_34, %add3A_32, %mul3A_39 : vector<400x128xi1>, vector<400x128xf32>
    %swap3A = arith.constant 0 : index
    %swap3A_40 = arith.constant 0 : index
    %swap3A_41 = vector.load %arg8[%swap3A, %swap3A_40] : memref<400x128xf32, #tpu.memory_space<vmem>>, vector<400x128xf32>
    tpu.vector_store %arg8[%swap3A, %swap3A_40], %select_n3A {strides = array<i32>} : memref<400x128xf32, #tpu.memory_space<vmem>>, vector<400x128xf32>,
    return
  }
  func.func @transform_0(%arg0: i32) -> (i32, i32, i32) {
    %c0_i32 = arith.constant 0 : i32
    %c0_i32_0 = arith.constant 0 : i32
    %c0_i32_1 = arith.constant 0 : i32
    return %c0_i32, %arg0, %c0_i32_0 : i32, i32, i32
  }
  func.func @transform_1(%arg0: i32) -> (i32, i32, i32) {
    %c1_i32 = arith.constant 1 : i32
    %c0_i32 = arith.constant 0 : i32
    %c0_i32_0 = arith.constant 0 : i32
    return %c1_i32, %arg0, %c0_i32 : i32, i32, i32
  }
  func.func @transform_2(%arg0: i32) -> (i32, i32) {
    %c0_i32 = arith.constant 0 : i32
    %c0_i32_0 = arith.constant 0 : i32
    return %arg0, %c0_i32 : i32, i32
  }
  func.func @transform_3(%arg0: i32) -> (i32, i32, i32) {
    %c0_i32 = arith.constant 0 : i32
    %c0_i32_0 = arith.constant 0 : i32
    %c0_i32_1 = arith.constant 0 : i32
    return %c0_i32, %arg0, %c0_i32_0 : i32, i32, i32
  }
  func.func @transform_4(%arg0: i32) -> (i32, i32, i32) {
    %c1_i32 = arith.constant 1 : i32
    %c0_i32 = arith.constant 0 : i32
    %c0_i32_0 = arith.constant 0 : i32
    return %c1_i32, %arg0, %c0_i32 : i32, i32, i32
  }
  func.func @transform_5(%arg0: i32) -> (i32, i32) {
    %c0_i32 = arith.constant 0 : i32
    %c0_i32_0 = arith.constant 0 : i32
    %c0_i32_1 = arith.constant 0 : i32
    return %c0_i32, %c0_i32_0 : i32, i32
  }
  func.func @transform_6(%arg0: i32) -> (i32, i32) {
    %c0_i32 = arith.constant 0 : i32
    %c0_i32_0 = arith.constant 0 : i32
    %c0_i32_1 = arith.constant 0 : i32
    return %c0_i32, %c0_i32_0 : i32, i32
  }
  func.func @transform_7(%arg0: i32) -> (i32, i32) {
    %c0_i32 = arith.constant 0 : i32
    %c0_i32_0 = arith.constant 0 : i32
    return %arg0, %c0_i32 : i32, i32
  }
}

</mosaic_0001>

<sc_bundles>
// kernel: kernel.11.cloned.1.call-start
scs
__scs_entry_jumppad:
0x0: {  	(pc) =	sbr.rel $0x88, $3  }
0x1: {  	(tag) =	ssettag $0x0;
	lr =	simm.s32 $0x1  }
0x2: {  	[smem:$0x3F9A] =	sst lr;
	_ =	strace $0xD0000000  }
0x3: {  	_ = 	snop  }
0x4: {  	_ = 	snop  }
0x5: {  	_ = 	snop  }
0x6: {  	_ = 	snop  }
0x7: {  	_ = 	snop  }
__scs_overlays_trampoline_lowered:
0x8: {  	[smem:$0x3FA9] =	sst s0  }
0x9: {  	[smem:$0x3FAA] =	sst s1  }
0xa: {  	[smem:$0x3FAB] =	sst s2  }
0xb: {  	[smem:$0x3FAC] =	sst s3  }
0xc: {  	[smem:$0x3FAD] =	sst s4  }
0xd: {  	[smem:$0x3FAE] =	sst s5  }
0xe: {  	[smem:$0x3FAF] =	sst s6  }
0xf: {  	[smem:$0x3FB0] =	sst s7  }
0x10: {  	[smem:$0x3FB1] =	sst s8  }
0x11: {  	[smem:$0x3FB2] =	sst s9;
	s0 =	simm.s32 @!p0 $0x0  }
0x12: {  	s1 =	sld [smem:$0x3F98];
	s0 =	simm.s32 @p0 $0x1  }
0x13: {  	[smem:$0x3FB3] =	sst s0;
	s0 =	simm.s32 @!p1 $0x0  }
0x14: {  	s2 =	sld [smem:$0x3F97];
	s0 =	simm.s32 @p1 $0x1  }
0x15: {  	[smem:$0x3FB4] =	sst s0;
	s0 =	simm.s32 @!p2 $0x0  }
0x16: {  	s3 =	sld [smem:$0x3FDB];
	s0 =	simm.s32 @p2 $0x1  }
0x17: {  	s4 =	simm.s32 $0x1BF5;
	[smem:$0x3FB6] =	sst s0  }
0x18: {  	s0 =	sld [smem:$0x3F99];
	_ =	swait.ge [sflag:s4], $0x0  }
0x19: {  	s7 =	sld [smem:$0x3F9A]  }
0x1a: {  	s8 =	sadd.s32 $0xFFFFE003, lr  }
0x1b: {  	s9 =	sadd.s32 $0xFFFFFEF7, lr;
	s5 =	simm.s32 $0xFFFFFFFF;
	p2 =	slt.u32 s8, $0xFFFFF086  }
0x1c: {  	p1 =	slt.u32 s9, $0xF7A;
	s5 =	simm.s32 @!p2 $0x0  }
0x1d: {  	s5 =	simm.s32 @p1 $0x1;
	p0 =	seq.s32 s7, s2  }
0x1e: {  	s7 =	smul.u32 @!p0 $0xF7A, s2;
	p2 =	seq.s32 @!p0 s5, $0x0  }
0x1f: {  	s9 =	smul.u32 $0xF7A, s1;
	s8 =	simm.s32 @!p0 $0x1BF5;
	p2 =	por !p2, p0  }
0x20: {  	[sflag:s8] =	ssyncset.s32 @!p0 $0xFFFFF086;
	s6 =	sadd.s32 @!p0 s3, s7;
	s7 =	simm.s32 @!p0 $0x108  }
0x21: {  	s3 =	sadd.s32 s3, s9;
	s6 =	sadd.s32 @!p0 $0x88, s6;
	s7 =	simm.s32 @p2 $0x1082  }
0x22: {  	[simem:s7], [sflag:s8] =	dma.local @!p0 [hbm:s6], $0xF7A  }
0x23: {  	s9 =	sor.u32 $0xD0000000, s2;
	s6 =	simm.s32 $0x108;
	_ =	swait.ge @!p0 [sflag:s8], $0x0  }
0x24: {  	s3 =	sadd.s32 $0x88, s3;
	s6 =	simm.s32 @!p1 $0x1082;
	[sflag:s4] =	ssyncset.s32 $0xFFFFF086  }
0x25: {  	[simem:s6], [sflag:s4] =	dma.local [hbm:s3], $0xF7A  }
0x26: {  	[smem:$0x3F9A] =	sst s1;
	(tag) =	ssettag s2;
	_ =	strace s9  }
0x27: {  	s1 =	sld [smem:$0x3FAA]  }
0x28: {  	s2 =	sld [smem:$0x3FAB]  }
0x29: {  	s4 =	sld [smem:$0x3FAD]  }
0x2a: {  	p0 =	seq.s32 s5, $0x0;
	s5 =	sld [smem:$0x3FAE]  }
0x2b: {  	s6 =	sld [smem:$0x3FAF]  }
0x2c: {  	s7 =	sld [smem:$0x3FB0]  }
0x2d: {  	s3 =	simm.s32 $0x108;
	s8 =	sld [smem:$0x3FB1]  }
0x2e: {  	s3 =	simm.s32 @!p0 $0x1082;
	s9 =	sld [smem:$0x3FB2]  }
0x2f: {  	lr =	sadd.s32 s0, s3;
	s0 =	sld [smem:$0x3FA9]  }
0x30: {  	s3 =	sld [smem:$0x3FAC]  }
0x31: {  	[smem:$0x3FB5] =	sst s10  }
0x32: {  	s10 =	sld [smem:$0x3FB3];
	_ =	sdelay $0x3  }
0x33: {  	p0 =	seq.s32 s10, $0x1;
	s10 =	sld [smem:$0x3FB5];
	_ =	sdelay $0x3  }
0x34: {  	[smem:$0x3FB5] =	sst s10  }
0x35: {  	s10 =	sld [smem:$0x3FB4];
	_ =	sdelay $0x3  }
0x36: {  	p1 =	seq.s32 s10, $0x1;
	s10 =	sld [smem:$0x3FB5];
	_ =	sdelay $0x3  }
0x37: {  	[smem:$0x3FB5] =	sst s10  }
0x38: {  	s10 =	sld [smem:$0x3FB6]  }
0x39: {  	_ = 	snop;
	(pc) =	sbr.ind lr, $3  }
0x3a: {  	_ = 	snop  }
0x3b: {  	_ = 	snop  }
0x3c: {  	p2 =	seq.s32 s10, $0x1;
	s10 =	sld [smem:$0x3FB5]  }
0x3d: {  	_ =	shalt  }
0x3e: {  	_ =	shalt  }
0x3f: {  	_ =	shalt  }
0x40: {  	_ =	shalt  }
0x41: {  	_ =	shalt  }
0x42: {  	_ =	shalt  }
0x43: {  	_ =	shalt  }
0x44: {  	_ =	shalt  }
0x45: {  	_ =	shalt  }
0x46: {  	_ =	shalt  }
0x47: {  	_ =	shalt  }
0x48: {  	_ =	shalt  }
0x49: {  	_ =	shalt  }
0x4a: {  	_ =	shalt  }
0x4b: {  	_ =	shalt  }
0x4c: {  	_ =	shalt  }
0x4d: {  	_ =	shalt  }
0x4e: {  	_ =	shalt  }
0x4f: {  	_ =	shalt  }
0x50: {  	_ =	shalt  }
0x51: {  	_ =	shalt  }
0x52: {  	_ =	shalt  }
0x53: {  	_ =	shalt  }
0x54: {  	_ =	shalt  }
0x55: {  	_ =	shalt  }
0x56: {  	_ =	shalt  }
0x57: {  	_ =	shalt  }
0x58: {  	_ =	shalt  }
0x59: {  	_ =	shalt  }
0x5a: {  	_ =	shalt  }
0x5b: {  	_ =	shalt  }
0x5c: {  	_ =	shalt  }
0x5d: {  	_ =	shalt  }
0x5e: {  	_ =	shalt  }
0x5f: {  	_ =	shalt  }
0x60: {  	_ =	shalt  }
0x61: {  	_ =	shalt  }
0x62: {  	_ =	shalt  }
0x63: {  	_ =	shalt  }
0x64: {  	_ =	shalt  }
0x65: {  	_ =	shalt  }
0x66: {  	_ =	shalt  }
0x67: {  	_ =	shalt  }
0x68: {  	_ =	shalt  }
0x69: {  	_ =	shalt  }
0x6a: {  	_ =	shalt  }
0x6b: {  	_ =	shalt  }
0x6c: {  	_ =	shalt  }
0x6d: {  	_ =	shalt  }
0x6e: {  	_ =	shalt  }
0x6f: {  	_ =	shalt  }
0x70: {  	_ =	shalt  }
0x71: {  	_ =	shalt  }
0x72: {  	_ =	shalt  }
0x73: {  	_ =	shalt  }
0x74: {  	_ =	shalt  }
0x75: {  	_ =	shalt  }
0x76: {  	_ =	shalt  }
0x77: {  	_ =	shalt  }
0x78: {  	_ =	shalt  }
0x79: {  	_ =	shalt  }
0x7a: {  	_ =	shalt  }
0x7b: {  	_ =	shalt  }
0x7c: {  	_ =	shalt  }
0x7d: {  	_ =	shalt  }
0x7e: {  	_ =	shalt  }
0x7f: {  	_ =	shalt  }
0x80: {  	_ =	shalt  }
0x81: {  	_ =	shalt  }
0x82: {  	_ =	shalt  }
0x83: {  	_ =	shalt  }
0x84: {  	_ =	shalt  }
0x85: {  	_ =	shalt  }
0x86: {  	_ =	shalt  }
0x87: {  	_ =	shalt  }
.Lfunc_end0:
.L_simem_size_0:
called_computation.1_lowered:
.L_overlay_start_0:
0x88: {  	s2 =	sld [smem:$0x3FD9]  }
0x89: {  	s3 =	sld [smem:$0x3FFE];
	_ =	sdelay $0x1  }
0x8a: {  	s1 =	srdreg.scid  }
0x8b: {  	s0 =	sand.u32 $0x1, s1  }
0x8c: {  	s17 =	sshll.u32 s0, $0xA;
	s2 =	sadd.s32 s3, s2  }
0x8d: {  	s2 =	sadd.s32 s2, s17  }
0x8e: {  	[smem:$0x3FC1] =	sst s2  }
0x8f: {  	_ = 	snop  }
0x90: {  	s2 =	sld [smem:$0x3FD0];
	(tm) =	ssettm $0x1  }
0x91: {  	s18 =	sld [smem:$0x3FFB];
	_ =	sdelay $0x3  }
0x92: {  	_ =	strace s18  }
0x93: {  	s3 =	sld [smem:$0x3FFC];
	_ =	sdelay $0x3  }
0x94: {  	_ =	strace s3  }
0x95: {  	s3 =	sld [smem:$0x3FFD];
	_ =	sdelay $0x3  }
0x96: {  	_ =	strace s3  }
0x97: {  	_ =	strace $0x8FFFFFFF  }
0x98: {  	s19 =	sld [smem:$0x3FDB];
	_ =	sdelay $0x1  }
0x99: {  	s4 =	simm.s32 $_scs_section_size  }
0x9a: {  	s5 =	simm.s32 $_size__tile_overlayer_lowered;
	s6 =	simm.s32 $_tile_overlayer_lowered  }
0x9b: {  	s22 =	simm.s32 $0x1BFF;
	s21 =	sshll.u32 s6, $0x1;
	s3 =	sadd.s32 s4, s19  }
0x9c: {  	s7 =	simm.s32 $0x0;
	s20 =	sshll.u32 s5, $0x1;
	s5 =	sadd.s32 s21, s3  }
0x9d: {  	[timem:s7], [sflag:s22] =	dma.local [hbm:s5], s20  }
0x9e: {  	_ =	swait.ge [sflag:s22], s20  }
0x9f: {  	s4 =	ssub.s32 $0x0, s20;
	[sflag:s22] =	ssyncset.done $0x0  }
0xa0: {  	[sflag:s22] =	ssyncadd.s32 s4;
	_ =	sdelay $0x1  }
0xa1: {  	s23 =	simm.s32 $0x1B8B  }
0xa2: {  	_ =	swait.ge [sflag:s23], $0x1  }
0xa3: {  	[sflag:s23] =	ssyncset.done $0x0  }
0xa4: {  	s25 =	simm.s32 $0x1B8E;
	s24 =	sld [smem:$0x3FFE];
	[sflag:s23] =	ssyncadd.s32 $0xFFFFFFFF  }
0xa5: {  	s26 =	simm.s32 $execute0_lowered;
	[smem:$0x3FD2] =	sst s25  }
0xa6: {  	s5 =	sshll.u32 s26, $0x1;
	_ =	strace $0x80000049;
	[dreg:$0x1] =	wrdreg $0xFFFFFFFF  }
0xa7: {  	s28 =	simm.s32 $_size_execute0_lowered;
	s3 =	sadd.s32 s3, s5;
	[dreg:$0x0] =	wrdreg $0x0  }
0xa8: {  	s5 =	sshll.u32 s28, $0x1;
	[dreg:$0x2] =	wrdreg s3  }
0xa9: {  	[dreg:$0x3] =	wrdreg s5  }
0xaa: {  	[dreg:$0x4] =	wrdreg $0xC0  }
0xab: {  	_ =	task [dreg:s7], $0x5FFFF  }
0xac: {  	[dreg:$0x1] =	wrdreg $0xFFFFFFFF  }
0xad: {  	[dreg:$0x0] =	wrdreg $0x60  }
0xae: {  	[dreg:$0x2] =	wrdreg s2  }
0xaf: {  	[dreg:$0x3] =	wrdreg s24  }
0xb0: {  	[dreg:$0x4] =	wrdreg $0xB7800  }
0xb1: {  	[dreg:$0x5] =	wrdreg $0x9  }
0xb2: {  	_ =	task.clear_ibuf [dreg:s7], $0x6FFFF;
	_ =	strace $0x90000049  }
0xb3: {  	s29 =	simm.s32 $0x9;
	_ =	strace $0x8000004B  }
0xb4: {  	_ =	swait.ge [sflag:s29], $0x1  }
0xb5: {  	[sflag:s29] =	ssyncadd.s32 $0xFFFFFFFF  }
0xb6: {  	_ =	strace $0x9000004B  }
0xb7: {  	_ =	sfence  }
0xb8: {  	s30 =	sld [smem:$0x0];
	_ =	sdelay $0x2  }
0xb9: {  	s31 =	sshll.u32 s1, $0xD;
	s1 =	sshrl.u32 s1, $0x2  }
0xba: {  	s3 =	sand.u32 $0x4000, s31;
	s1 =	sadd.s32 s1, s30  }
0xbb: {  	s0 =	sor.u32 s3, s0;
	s1 =	sshll.u32 s1, $0x11  }
0xbc: {  	s0 =	sor.u32 s1, s0  }
0xbd: {  	s0 =	sadd.s32 $0x8F2B, s0  }
0xbe: {  	[sflag:s0] =	ssyncadd.remote.s32 $0x1  }
0xbf: {  	_ =	sfence.sel $0xFFFF  }
0xc0: {  	[dreg:$0x0] =	wrdreg $0xFFFFFFFF;
	(pc) =	sbr.abs _section_cstart, $3  }
0xc1: {  	[dreg:$0x1] =	wrdreg $0xFFFFFFFF  }
0xc2: {  	_ =	task.clear_ibuf [dreg:s7], $0x2FFFF;
	_ =	strace $0x9FFFFFFF  }
0xc3: {  	(tm) =	ssettm $0x7FFFFFFF  }
tec
execute0_lowered:
.L_overlay_start_1:
0x0: {  	(tag) =	ssettag $0x1  }
0x1: {  	s0 =	srdreg.scid;
	s7 =	rddreg [dreg:$0x1]  }
0x2: {  	s3 =	rddreg [dreg:$0x2];
	s4 =	simm.s32 $0x0;
	s15 =	simm.s32 $0x50  }
0x3: {  	s16 =	simm.s32 $0x6780;
	s17 =	simm.s32 $0x8F80;
	s18 =	simm.s32 $0x1  }
0x4: {  	s19 =	simm.s32 $0x2;
	s5 =	sand.u32 $0x1, s0;
	s0 =	stileid.u32  }
0x5: {  	s20 =	simm.s32 $0x6580;
	[smem:$0x7FF] =	sst s4;
	s30 =	smul.u32 $0x28000, s5  }
0x6: {  	s1 =	sshll.u32 s5, $0x4;
	s29 =	sshll.u32 s0, $0x7;
	s11 =	smul.u32 $0x50000, s0  }
0x7: {  	s10 =	ssub.s32 $0x2, s5;
	s5 =	sadd.s32 $0x12400, s7;
	s22 =	smul.u32 $0x2800, s0  }
0x8: {  	s13 =	sshll.u32 s0, $0x6;
	s6 =	sor.u32 s0, s1;
	s1 =	rddreg [dreg:$0x0]  }
0x9: {  	s9 =	sand.u32 $0x380, s29;
	s31 =	sshrl.u32 s10, $0x1;
	s13 =	sor.u32 $0x1C03, s13  }
0xa: {  	s2 =	sshrl.u32 s6, $0x3;
	s6 =	sshll.u32 s6, $0xB;
	s10 =	ssub.s32 s10, s31  }
0xb: {  	s11 =	sshrl.u32 s11, $0x2;
	s8 =	smul.u32 $0x13C00, s2;
	s2 =	rddreg [dreg:$0x3]  }
0xc: {  	_ =	strace $0x8000004A;
	s12 =	sadd.s32 s6, s7;
	s14 =	sadd.s32 s11, s3  }
0xd: {  	s11 =	simm.s32 $0x3;
	s8 =	sor.u32 s9, s8;
	s9 =	sadd.s32 s30, s7  }
0xe: {  	s14 =	sshrl.u32 s14, $0x3;
	s8 =	sshrl.u32 s8, $0x3;
	s21 =	sadd.s32 $0x6EA00, s9  }
0xf: {  	s9 =	simm.s32 $0x80;
	s8 =	sadd.s32 s8, s7;
	s7 =	sadd.s32 $0x2400, s12  }
0x10: {  	s12 =	simm.s32 $0x2780;
	s21 =	sadd.s32 s22, s21;
	s22 =	simm.s32 $0x0  }
0x11: {  	s6 =	sadd.s32 $0x64C00, s8;
	s8 =	smax.u32 s10, $0x1;
	s10 =	simm.s32 $0x400  }
.LBB2_1:
0x12: {  	[tilespmem:s4], [sflag:$0x3] =	stream.strided.gather [hbm4b:s6+s9], $0x2780, s10, s9, $0x38;
	[tilespmem:$0x1F780] =	vst v63  }
0x13: {  	_ =	swait.ge [sflag:s11], $0x2780  }
0x14: {  	[sflag:s11] =	ssyncset.done $0x0  }
0x15: {  	[sflag:s11] =	ssyncadd.s32 $0xFFFFD880  }
0x16: {  	[tilespmem:s12], [sflag:$0x3] =	stream.linear.gather [hbm4b:s7+s4], $0x3E80, $0x38;
	[tilespmem:$0x1F780] =	vst v63  }
0x17: {  	_ =	swait.ge [sflag:s11], $0x3E80  }
0x18: {  	[sflag:s11] =	ssyncset.done $0x0  }
0x19: {  	[sflag:s11] =	ssyncadd.s32 $0xFFFFC180  }
0x1a: {  	[spmem:s14], [sflag:s13] =	dma.local [hbm:s5], $0x2800  }
0x1b: {  	_ =	swait.ge [sflag:s11], $0x2800  }
0x1c: {  	[sflag:s11] =	ssyncset.done $0x0  }
0x1d: {  	[sflag:s11] =	ssyncadd.s32 $0xFFFFD800  }
0x1e: {  	[bflag:$0x0] =	sbarrier.arrive $0xFFFF  }
0x1f: {  	[tilespmem:s16], [sflag:$0x1] =	stream.indirect.gather [hbm4b:s1+s15], $0x80, s4, s15, $0xb8;
	[tilespmem:$0x1F780] =	vst v63  }
0x20: {  	s23 =	simm.s32 $0x50  }
0x21: {  	[tilespmem:s17], [sflag:$0x2] =	stream.indirect.gather [hbm4b:s1+s15], $0x80, s23, s15, $0xb8;
	[tilespmem:$0x1F780] =	vst v63  }
0x22: {  	_ =	swait.ge [sflag:s18], $0x2800  }
0x23: {  	[sflag:s18] =	ssyncset.done $0x0  }
0x24: {  	s29 =	simm.s32 $0x2780;
	[sflag:s18] =	ssyncadd.s32 $0xFFFFD800  }
0x25: {  	[spmem:s3] =	stream.indirect.scatter.add.f32 [tilespmem:s16], [sflag:$0x3], $0x80, s29, s15, $0xb8;
	[tilespmem:$0x1F780] =	vst v63  }
0x26: {  	_ =	swait.ge [sflag:s11], $0x2800  }
0x27: {  	[sflag:s11] =	ssyncset.done $0x0  }
0x28: {  	s30 =	simm.s32 $0xA0;
	[sflag:s11] =	ssyncadd.s32 $0xFFFFD800  }
0x29: {  	[tilespmem:s16], [sflag:$0x1] =	stream.indirect.gather [hbm4b:s1+s15], $0x80, s30, s15, $0xb8;
	[tilespmem:$0x1F780] =	vst v63  }
0x2a: {  	_ =	swait.ge [sflag:s19], $0x2800  }
0x2b: {  	[sflag:s19] =	ssyncset.done $0x0  }
0x2c: {  	s31 =	simm.s32 $0x2800;
	[sflag:s19] =	ssyncadd.s32 $0xFFFFD800  }
0x2d: {  	[spmem:s3] =	stream.indirect.scatter.add.f32 [tilespmem:s17], [sflag:$0x3], $0x80, s31, s15, $0xb8;
	[tilespmem:$0x1F780] =	vst v63  }
0x2e: {  	s24 =	simm.s32 $0x400;
	_ =	swait.ge [sflag:s11], $0x2800  }
0x2f: {  	s25 =	simm.s32 $0x800;
	s23 =	simm.s32 $0x140;
	[sflag:s11] =	ssyncset.done $0x0  }
.LBB2_2:
0x30: {  	p0 =	sne.s32 s25, $0xF400;
	s26 =	sadd.s32 $0xFFFFFFB0, s23;
	[sflag:s11] =	ssyncadd.s32 $0xFFFFD800  }
0x31: {  	[tilespmem:s17], [sflag:$0x2] =	stream.indirect.gather [hbm4b:s1+s15], $0x80, s26, s15, $0xb8;
	[tilespmem:$0x1F780] =	vst v63  }
0x32: {  	s26 =	smov.u32 s25;
	s25 =	sadd.s32 $0x400, s25;
	_ =	swait.ge [sflag:s18], $0x2800  }
0x33: {  	s28 =	sshra.s32 s24, $0x2;
	s24 =	smov.u32 s26;
	[sflag:s18] =	ssyncset.done $0x0  }
0x34: {  	s26 =	sadd.s32 $0x2780, s28;
	[sflag:s18] =	ssyncadd.s32 $0xFFFFD800  }
0x35: {  	[spmem:s3] =	stream.indirect.scatter.add.f32 [tilespmem:s16], [sflag:$0x3], $0x80, s26, s15, $0xb8;
	[tilespmem:$0x1F780] =	vst v63  }
0x36: {  	_ =	swait.ge [sflag:s11], $0x2800  }
0x37: {  	[sflag:s11] =	ssyncset.done $0x0  }
0x38: {  	[sflag:s11] =	ssyncadd.s32 $0xFFFFD800  }
0x39: {  	[tilespmem:s16], [sflag:$0x1] =	stream.indirect.gather [hbm4b:s1+s15], $0x80, s23, s15, $0xb8;
	[tilespmem:$0x1F780] =	vst v63  }
0x3a: {  	_ =	swait.ge [sflag:s19], $0x2800  }
.Ltmp0:
0x3b: {  	[sflag:s19] =	ssyncset.done $0x0;
	(pc) =	sbr.rel @p0 .LBB2_2-.Ltmp0, $4  }
0x3c: {  	s26 =	sadd.s32 $0x2800, s28;
	[sflag:s19] =	ssyncadd.s32 $0xFFFFD800  }
0x3d: {  	[spmem:s3] =	stream.indirect.scatter.add.f32 [tilespmem:s17], [sflag:$0x3], $0x80, s26, s15, $0xb8;
	[tilespmem:$0x1F780] =	vst v63  }
0x3e: {  	_ =	swait.ge [sflag:s11], $0x2800  }
0x3f: {  	s23 =	sadd.s32 $0xA0, s23;
	[sflag:s11] =	ssyncset.done $0x0  }
0x40: {  	s25 =	sadd.s32 $0xFFFFFFB0, s23;
	[sflag:s11] =	ssyncadd.s32 $0xFFFFD800  }
0x41: {  	[tilespmem:s17], [sflag:$0x2] =	stream.indirect.gather [hbm4b:s1+s15], $0x80, s25, s15, $0xb8;
	[tilespmem:$0x1F780] =	vst v63  }
0x42: {  	_ =	swait.ge [sflag:s18], $0x2800  }
0x43: {  	s24 =	sshra.s32 s24, $0x2;
	[sflag:s18] =	ssyncset.done $0x0  }
0x44: {  	s30 =	sadd.s32 $0x2780, s24;
	[sflag:s18] =	ssyncadd.s32 $0xFFFFD800  }
0x45: {  	[spmem:s3] =	stream.indirect.scatter.add.f32 [tilespmem:s16], [sflag:$0x3], $0x80, s30, s15, $0xb8;
	[tilespmem:$0x1F780] =	vst v63  }
0x46: {  	_ =	swait.ge [sflag:s11], $0x2800  }
0x47: {  	[sflag:s11] =	ssyncset.done $0x0  }
0x48: {  	[sflag:s11] =	ssyncadd.s32 $0xFFFFD800  }
0x49: {  	[tilespmem:s16], [sflag:$0x1] =	stream.indirect.gather [hbm4b:s1+s15], $0x80, s23, s15, $0xb8;
	[tilespmem:$0x1F780] =	vst v63  }
0x4a: {  	_ =	swait.ge [sflag:s19], $0x2800  }
0x4b: {  	[sflag:s19] =	ssyncset.done $0x0  }
0x4c: {  	s31 =	sadd.s32 $0x2800, s24;
	[sflag:s19] =	ssyncadd.s32 $0xFFFFD800  }
0x4d: {  	[spmem:s3] =	stream.indirect.scatter.add.f32 [tilespmem:s17], [sflag:$0x3], $0x80, s31, s15, $0xb8;
	[tilespmem:$0x1F780] =	vst v63  }
0x4e: {  	_ =	swait.ge [sflag:s11], $0x2800  }
0x4f: {  	[sflag:s11] =	ssyncset.done $0x0  }
0x50: {  	[sflag:s11] =	ssyncadd.s32 $0xFFFFD800  }
0x51: {  	_ =	swait.ge [sflag:s18], $0x2800  }
0x52: {  	[sflag:s18] =	ssyncset.done $0x0  }
0x53: {  	[sflag:s18] =	ssyncadd.s32 $0xFFFFD800  }
0x54: {  	[spmem:s3] =	stream.indirect.scatter.add.f32 [tilespmem:s16], [sflag:$0x3], $0x80, s20, s15, $0xb8;
	[tilespmem:$0x1F780] =	vst v63  }
0x55: {  	_ =	swait.ge [sflag:s11], $0x2800  }
0x56: {  	s22 =	sadd.s32 $0x1, s22;
	[sflag:s11] =	ssyncset.done $0x0  }
0x57: {  	p0 =	sne.s32 s22, s8;
	[sflag:s11] =	ssyncadd.s32 $0xFFFFD800  }
.Ltmp1:
0x58: {  	[bflag:$0x0] =	sbarrier.arrive $0xFFFF;
	(pc) =	sbr.rel @p0 .LBB2_1-.Ltmp1, $4  }
0x59: {  	[hbm:s21], [sflag:s13] =	dma.local [spmem:s14], $0x2800  }
0x5a: {  	_ =	swait.ge [sflag:s11], $0x2800  }
0x5b: {  	[sflag:s11] =	ssyncset.done $0x0  }
0x5c: {  	[sflag:s11] =	ssyncadd.s32 $0xFFFFD800  }
0x5d: {  	_ =	sfence.sel $0x180000  }
0x5e: {  	[bflag:$0x0] =	sbarrier.arrive $0xFFFF  }
0x5f: {  	p0 =	sne.s32 s0, $0x0;
	_ =	strace $0x9000004A  }
0x60: {  	s0 =	sadd.s32 @!p0 $0x100000, s2;
	[bflag:$0x2] =	sbarrier.arrive $0xFFFF  }
0x61: {  	[sflag:s0] =	ssyncadd.tile.s32 @!p0 $0x1;
	_ =	shalt  }
.Lfunc_end2:
_tile_overlayer_lowered:
.L_overlay_start_2:
0x62: {  	(tag) =	ssettag $0x2  }
0x63: {  	s0 =	rddreg [dreg:$0x0];
	s2 =	stileid.u32  }
0x64: {  	s1 =	rddreg [dreg:$0x1];
	p0 =	sne.s32 s2, $0x0  }
0x65: {  	s3 =	rddreg [dreg:$0x2];
	[bflag:$0x3] =	sbarrier.arrive $0xFFFF;
	s2 =	simm.s32 @!p0 $0x1C03  }
0x66: {  	[timem:s3], [sflag:s2] =	dma.local @!p0 [hbm:s0], s1  }
0x67: {  	s0 =	simm.s32 @!p0 $0x3  }
0x68: {  	_ =	swait.ge @!p0 [sflag:s0], s1  }
0x69: {  	s1 =	ssub.s32 @!p0 $0x0, s1;
	[sflag:s0] =	ssyncset.done @!p0 $0x0  }
0x6a: {  	[sflag:s0] =	ssyncadd.s32 @!p0 s1  }
0x6b: {  	[bflag:$0x3] =	sbarrier.arrive $0xFFFF  }
0x6c: {  	_ =	shalt  }

// kernel: kernel.14.cloned.1.call-start
scs
__scs_entry_jumppad:
0x0: {  	(pc) =	sbr.rel $0x88, $3  }
0x1: {  	(tag) =	ssettag $0x0;
	lr =	simm.s32 $0x1  }
0x2: {  	[smem:$0x3F9A] =	sst lr;
	_ =	strace $0xD0000000  }
0x3: {  	_ = 	snop  }
0x4: {  	_ = 	snop  }
0x5: {  	_ = 	snop  }
0x6: {  	_ = 	snop  }
0x7: {  	_ = 	snop  }
__scs_overlays_trampoline_lowered:
0x8: {  	[smem:$0x3FA9] =	sst s0  }
0x9: {  	[smem:$0x3FAA] =	sst s1  }
0xa: {  	[smem:$0x3FAB] =	sst s2  }
0xb: {  	[smem:$0x3FAC] =	sst s3  }
0xc: {  	[smem:$0x3FAD] =	sst s4  }
0xd: {  	[smem:$0x3FAE] =	sst s5  }
0xe: {  	[smem:$0x3FAF] =	sst s6  }
0xf: {  	[smem:$0x3FB0] =	sst s7  }
0x10: {  	[smem:$0x3FB1] =	sst s8  }
0x11: {  	[smem:$0x3FB2] =	sst s9;
	s0 =	simm.s32 @!p0 $0x0  }
0x12: {  	s1 =	sld [smem:$0x3F98];
	s0 =	simm.s32 @p0 $0x1  }
0x13: {  	[smem:$0x3FB3] =	sst s0;
	s0 =	simm.s32 @!p1 $0x0  }
0x14: {  	s2 =	sld [smem:$0x3F97];
	s0 =	simm.s32 @p1 $0x1  }
0x15: {  	[smem:$0x3FB4] =	sst s0;
	s0 =	simm.s32 @!p2 $0x0  }
0x16: {  	s3 =	sld [smem:$0x3FDB];
	s0 =	simm.s32 @p2 $0x1  }
0x17: {  	s4 =	simm.s32 $0x1BF5;
	[smem:$0x3FB6] =	sst s0  }
0x18: {  	s0 =	sld [smem:$0x3F99];
	_ =	swait.ge [sflag:s4], $0x0  }
0x19: {  	s7 =	sld [smem:$0x3F9A]  }
0x1a: {  	s8 =	sadd.s32 $0xFFFFE003, lr  }
0x1b: {  	s9 =	sadd.s32 $0xFFFFFEF7, lr;
	s5 =	simm.s32 $0xFFFFFFFF;
	p2 =	slt.u32 s8, $0xFFFFF086  }
0x1c: {  	p1 =	slt.u32 s9, $0xF7A;
	s5 =	simm.s32 @!p2 $0x0  }
0x1d: {  	s5 =	simm.s32 @p1 $0x1;
	p0 =	seq.s32 s7, s2  }
0x1e: {  	s7 =	smul.u32 @!p0 $0xF7A, s2;
	p2 =	seq.s32 @!p0 s5, $0x0  }
0x1f: {  	s9 =	smul.u32 $0xF7A, s1;
	s8 =	simm.s32 @!p0 $0x1BF5;
	p2 =	por !p2, p0  }
0x20: {  	[sflag:s8] =	ssyncset.s32 @!p0 $0xFFFFF086;
	s6 =	sadd.s32 @!p0 s3, s7;
	s7 =	simm.s32 @!p0 $0x108  }
0x21: {  	s3 =	sadd.s32 s3, s9;
	s6 =	sadd.s32 @!p0 $0x88, s6;
	s7 =	simm.s32 @p2 $0x1082  }
0x22: {  	[simem:s7], [sflag:s8] =	dma.local @!p0 [hbm:s6], $0xF7A  }
0x23: {  	s9 =	sor.u32 $0xD0000000, s2;
	s6 =	simm.s32 $0x108;
	_ =	swait.ge @!p0 [sflag:s8], $0x0  }
0x24: {  	s3 =	sadd.s32 $0x88, s3;
	s6 =	simm.s32 @!p1 $0x1082;
	[sflag:s4] =	ssyncset.s32 $0xFFFFF086  }
0x25: {  	[simem:s6], [sflag:s4] =	dma.local [hbm:s3], $0xF7A  }
0x26: {  	[smem:$0x3F9A] =	sst s1;
	(tag) =	ssettag s2;
	_ =	strace s9  }
0x27: {  	s1 =	sld [smem:$0x3FAA]  }
0x28: {  	s2 =	sld [smem:$0x3FAB]  }
0x29: {  	s4 =	sld [smem:$0x3FAD]  }
0x2a: {  	p0 =	seq.s32 s5, $0x0;
	s5 =	sld [smem:$0x3FAE]  }
0x2b: {  	s6 =	sld [smem:$0x3FAF]  }
0x2c: {  	s7 =	sld [smem:$0x3FB0]  }
0x2d: {  	s3 =	simm.s32 $0x108;
	s8 =	sld [smem:$0x3FB1]  }
0x2e: {  	s3 =	simm.s32 @!p0 $0x1082;
	s9 =	sld [smem:$0x3FB2]  }
0x2f: {  	lr =	sadd.s32 s0, s3;
	s0 =	sld [smem:$0x3FA9]  }
0x30: {  	s3 =	sld [smem:$0x3FAC]  }
0x31: {  	[smem:$0x3FB5] =	sst s10  }
0x32: {  	s10 =	sld [smem:$0x3FB3];
	_ =	sdelay $0x3  }
0x33: {  	p0 =	seq.s32 s10, $0x1;
	s10 =	sld [smem:$0x3FB5];
	_ =	sdelay $0x3  }
0x34: {  	[smem:$0x3FB5] =	sst s10  }
0x35: {  	s10 =	sld [smem:$0x3FB4];
	_ =	sdelay $0x3  }
0x36: {  	p1 =	seq.s32 s10, $0x1;
	s10 =	sld [smem:$0x3FB5];
	_ =	sdelay $0x3  }
0x37: {  	[smem:$0x3FB5] =	sst s10  }
0x38: {  	s10 =	sld [smem:$0x3FB6]  }
0x39: {  	_ = 	snop;
	(pc) =	sbr.ind lr, $3  }
0x3a: {  	_ = 	snop  }
0x3b: {  	_ = 	snop  }
0x3c: {  	p2 =	seq.s32 s10, $0x1;
	s10 =	sld [smem:$0x3FB5]  }
0x3d: {  	_ =	shalt  }
0x3e: {  	_ =	shalt  }
0x3f: {  	_ =	shalt  }
0x40: {  	_ =	shalt  }
0x41: {  	_ =	shalt  }
0x42: {  	_ =	shalt  }
0x43: {  	_ =	shalt  }
0x44: {  	_ =	shalt  }
0x45: {  	_ =	shalt  }
0x46: {  	_ =	shalt  }
0x47: {  	_ =	shalt  }
0x48: {  	_ =	shalt  }
0x49: {  	_ =	shalt  }
0x4a: {  	_ =	shalt  }
0x4b: {  	_ =	shalt  }
0x4c: {  	_ =	shalt  }
0x4d: {  	_ =	shalt  }
0x4e: {  	_ =	shalt  }
0x4f: {  	_ =	shalt  }
0x50: {  	_ =	shalt  }
0x51: {  	_ =	shalt  }
0x52: {  	_ =	shalt  }
0x53: {  	_ =	shalt  }
0x54: {  	_ =	shalt  }
0x55: {  	_ =	shalt  }
0x56: {  	_ =	shalt  }
0x57: {  	_ =	shalt  }
0x58: {  	_ =	shalt  }
0x59: {  	_ =	shalt  }
0x5a: {  	_ =	shalt  }
0x5b: {  	_ =	shalt  }
0x5c: {  	_ =	shalt  }
0x5d: {  	_ =	shalt  }
0x5e: {  	_ =	shalt  }
0x5f: {  	_ =	shalt  }
0x60: {  	_ =	shalt  }
0x61: {  	_ =	shalt  }
0x62: {  	_ =	shalt  }
0x63: {  	_ =	shalt  }
0x64: {  	_ =	shalt  }
0x65: {  	_ =	shalt  }
0x66: {  	_ =	shalt  }
0x67: {  	_ =	shalt  }
0x68: {  	_ =	shalt  }
0x69: {  	_ =	shalt  }
0x6a: {  	_ =	shalt  }
0x6b: {  	_ =	shalt  }
0x6c: {  	_ =	shalt  }
0x6d: {  	_ =	shalt  }
0x6e: {  	_ =	shalt  }
0x6f: {  	_ =	shalt  }
0x70: {  	_ =	shalt  }
0x71: {  	_ =	shalt  }
0x72: {  	_ =	shalt  }
0x73: {  	_ =	shalt  }
0x74: {  	_ =	shalt  }
0x75: {  	_ =	shalt  }
0x76: {  	_ =	shalt  }
0x77: {  	_ =	shalt  }
0x78: {  	_ =	shalt  }
0x79: {  	_ =	shalt  }
0x7a: {  	_ =	shalt  }
0x7b: {  	_ =	shalt  }
0x7c: {  	_ =	shalt  }
0x7d: {  	_ =	shalt  }
0x7e: {  	_ =	shalt  }
0x7f: {  	_ =	shalt  }
0x80: {  	_ =	shalt  }
0x81: {  	_ =	shalt  }
0x82: {  	_ =	shalt  }
0x83: {  	_ =	shalt  }
0x84: {  	_ =	shalt  }
0x85: {  	_ =	shalt  }
0x86: {  	_ =	shalt  }
0x87: {  	_ =	shalt  }
.Lfunc_end0:
.L_simem_size_0:
called_computation.2_lowered:
.L_overlay_start_0:
0x88: {  	s2 =	sld [smem:$0x3FD9]  }
0x89: {  	s3 =	sld [smem:$0x3FFE];
	_ =	sdelay $0x1  }
0x8a: {  	s1 =	srdreg.scid  }
0x8b: {  	s0 =	sand.u32 $0x1, s1  }
0x8c: {  	s17 =	sshll.u32 s0, $0xA;
	s2 =	sadd.s32 s3, s2  }
0x8d: {  	s2 =	sadd.s32 s2, s17  }
0x8e: {  	[smem:$0x3FC1] =	sst s2  }
0x8f: {  	_ = 	snop  }
0x90: {  	s2 =	sld [smem:$0x3FD0];
	(tm) =	ssettm $0x1  }
0x91: {  	s18 =	sld [smem:$0x3FFB];
	_ =	sdelay $0x3  }
0x92: {  	_ =	strace s18  }
0x93: {  	s3 =	sld [smem:$0x3FFC];
	_ =	sdelay $0x3  }
0x94: {  	_ =	strace s3  }
0x95: {  	s3 =	sld [smem:$0x3FFD];
	_ =	sdelay $0x3  }
0x96: {  	_ =	strace s3  }
0x97: {  	_ =	strace $0x8FFFFFFF  }
0x98: {  	s19 =	sld [smem:$0x3FDB];
	_ =	sdelay $0x1  }
0x99: {  	s4 =	simm.s32 $_scs_section_size  }
0x9a: {  	s5 =	simm.s32 $_size__tile_overlayer_lowered;
	s6 =	simm.s32 $_tile_overlayer_lowered  }
0x9b: {  	s22 =	simm.s32 $0x1BFF;
	s21 =	sshll.u32 s6, $0x1;
	s3 =	sadd.s32 s4, s19  }
0x9c: {  	s7 =	simm.s32 $0x0;
	s20 =	sshll.u32 s5, $0x1;
	s5 =	sadd.s32 s21, s3  }
0x9d: {  	[timem:s7], [sflag:s22] =	dma.local [hbm:s5], s20  }
0x9e: {  	_ =	swait.ge [sflag:s22], s20  }
0x9f: {  	s4 =	ssub.s32 $0x0, s20;
	[sflag:s22] =	ssyncset.done $0x0  }
0xa0: {  	[sflag:s22] =	ssyncadd.s32 s4;
	_ =	sdelay $0x1  }
0xa1: {  	s23 =	simm.s32 $0x1B8B  }
0xa2: {  	_ =	swait.ge [sflag:s23], $0x1  }
0xa3: {  	[sflag:s23] =	ssyncset.done $0x0  }
0xa4: {  	s25 =	simm.s32 $0x1B8E;
	s24 =	sld [smem:$0x3FFE];
	[sflag:s23] =	ssyncadd.s32 $0xFFFFFFFF  }
0xa5: {  	s26 =	simm.s32 $execute0_lowered;
	[smem:$0x3FD2] =	sst s25  }
0xa6: {  	s5 =	sshll.u32 s26, $0x1;
	_ =	strace $0x8000004C;
	[dreg:$0x1] =	wrdreg $0xFFFFFFFF  }
0xa7: {  	s28 =	simm.s32 $_size_execute0_lowered;
	s3 =	sadd.s32 s3, s5;
	[dreg:$0x0] =	wrdreg $0x0  }
0xa8: {  	s5 =	sshll.u32 s28, $0x1;
	[dreg:$0x2] =	wrdreg s3  }
0xa9: {  	[dreg:$0x3] =	wrdreg s5  }
0xaa: {  	[dreg:$0x4] =	wrdreg $0xC0  }
0xab: {  	_ =	task [dreg:s7], $0x5FFFF  }
0xac: {  	[dreg:$0x1] =	wrdreg $0xFFFFFFFF  }
0xad: {  	[dreg:$0x0] =	wrdreg $0x60  }
0xae: {  	[dreg:$0x2] =	wrdreg s2  }
0xaf: {  	[dreg:$0x3] =	wrdreg s24  }
0xb0: {  	[dreg:$0x4] =	wrdreg $0xB7800  }
0xb1: {  	[dreg:$0x5] =	wrdreg $0x9  }
0xb2: {  	_ =	task.clear_ibuf [dreg:s7], $0x6FFFF;
	_ =	strace $0x9000004C  }
0xb3: {  	s29 =	simm.s32 $0x9;
	_ =	strace $0x8000004E  }
0xb4: {  	_ =	swait.ge [sflag:s29], $0x1  }
0xb5: {  	[sflag:s29] =	ssyncadd.s32 $0xFFFFFFFF  }
0xb6: {  	_ =	strace $0x9000004E  }
0xb7: {  	_ =	sfence  }
0xb8: {  	s30 =	sld [smem:$0x0];
	_ =	sdelay $0x2  }
0xb9: {  	s31 =	sshll.u32 s1, $0xD;
	s1 =	sshrl.u32 s1, $0x2  }
0xba: {  	s3 =	sand.u32 $0x4000, s31;
	s1 =	sadd.s32 s1, s30  }
0xbb: {  	s0 =	sor.u32 s3, s0;
	s1 =	sshll.u32 s1, $0x11  }
0xbc: {  	s0 =	sor.u32 s1, s0  }
0xbd: {  	s0 =	sadd.s32 $0x8F2B, s0  }
0xbe: {  	[sflag:s0] =	ssyncadd.remote.s32 $0x1  }
0xbf: {  	_ =	sfence.sel $0xFFFF  }
0xc0: {  	[dreg:$0x0] =	wrdreg $0xFFFFFFFF;
	(pc) =	sbr.abs _section_cstart, $3  }
0xc1: {  	[dreg:$0x1] =	wrdreg $0xFFFFFFFF  }
0xc2: {  	_ =	task.clear_ibuf [dreg:s7], $0x2FFFF;
	_ =	strace $0x9FFFFFFF  }
0xc3: {  	(tm) =	ssettm $0x7FFFFFFF  }
tec
execute0_lowered:
.L_overlay_start_1:
0x0: {  	(tag) =	ssettag $0x1  }
0x1: {  	s0 =	srdreg.scid;
	s7 =	rddreg [dreg:$0x1]  }
0x2: {  	s3 =	rddreg [dreg:$0x2];
	s4 =	simm.s32 $0x0;
	s15 =	simm.s32 $0x50  }
0x3: {  	s16 =	simm.s32 $0x6780;
	s17 =	simm.s32 $0x8F80;
	s18 =	simm.s32 $0x1  }
0x4: {  	s19 =	simm.s32 $0x2;
	s5 =	sand.u32 $0x1, s0;
	s0 =	stileid.u32  }
0x5: {  	s20 =	simm.s32 $0x6580;
	[smem:$0x7FF] =	sst s4;
	s30 =	smul.u32 $0x28000, s5  }
0x6: {  	s1 =	sshll.u32 s5, $0x4;
	s29 =	sshll.u32 s0, $0x7;
	s11 =	smul.u32 $0x50000, s0  }
0x7: {  	s10 =	ssub.s32 $0x2, s5;
	s5 =	sadd.s32 $0x12400, s7;
	s22 =	smul.u32 $0x2800, s0  }
0x8: {  	s13 =	sshll.u32 s0, $0x6;
	s6 =	sor.u32 s0, s1;
	s1 =	rddreg [dreg:$0x0]  }
0x9: {  	s9 =	sand.u32 $0x380, s29;
	s31 =	sshrl.u32 s10, $0x1;
	s13 =	sor.u32 $0x1C03, s13  }
0xa: {  	s2 =	sshrl.u32 s6, $0x3;
	s6 =	sshll.u32 s6, $0xB;
	s10 =	ssub.s32 s10, s31  }
0xb: {  	s11 =	sshrl.u32 s11, $0x2;
	s8 =	smul.u32 $0x13C00, s2;
	s2 =	rddreg [dreg:$0x3]  }
0xc: {  	_ =	strace $0x8000004D;
	s12 =	sadd.s32 s6, s7;
	s14 =	sadd.s32 s11, s3  }
0xd: {  	s11 =	simm.s32 $0x3;
	s8 =	sor.u32 s9, s8;
	s9 =	sadd.s32 s30, s7  }
0xe: {  	s14 =	sshrl.u32 s14, $0x3;
	s8 =	sshrl.u32 s8, $0x3;
	s21 =	sadd.s32 $0x6EA00, s9  }
0xf: {  	s9 =	simm.s32 $0x80;
	s8 =	sadd.s32 s8, s7;
	s7 =	sadd.s32 $0x2400, s12  }
0x10: {  	s12 =	simm.s32 $0x2780;
	s21 =	sadd.s32 s22, s21;
	s22 =	simm.s32 $0x0  }
0x11: {  	s6 =	sadd.s32 $0x64C00, s8;
	s8 =	smax.u32 s10, $0x1;
	s10 =	simm.s32 $0x400  }
.LBB2_1:
0x12: {  	[tilespmem:s4], [sflag:$0x3] =	stream.strided.gather [hbm4b:s6+s9], $0x2780, s10, s9, $0x38;
	[tilespmem:$0x1F780] =	vst v63  }
0x13: {  	_ =	swait.ge [sflag:s11], $0x2780  }
0x14: {  	[sflag:s11] =	ssyncset.done $0x0  }
0x15: {  	[sflag:s11] =	ssyncadd.s32 $0xFFFFD880  }
0x16: {  	[tilespmem:s12], [sflag:$0x3] =	stream.linear.gather [hbm4b:s7+s4], $0x3E80, $0x38;
	[tilespmem:$0x1F780] =	vst v63  }
0x17: {  	_ =	swait.ge [sflag:s11], $0x3E80  }
0x18: {  	[sflag:s11] =	ssyncset.done $0x0  }
0x19: {  	[sflag:s11] =	ssyncadd.s32 $0xFFFFC180  }
0x1a: {  	[spmem:s14], [sflag:s13] =	dma.local [hbm:s5], $0x2800  }
0x1b: {  	_ =	swait.ge [sflag:s11], $0x2800  }
0x1c: {  	[sflag:s11] =	ssyncset.done $0x0  }
0x1d: {  	[sflag:s11] =	ssyncadd.s32 $0xFFFFD800  }
0x1e: {  	[bflag:$0x0] =	sbarrier.arrive $0xFFFF  }
0x1f: {  	[tilespmem:s16], [sflag:$0x1] =	stream.indirect.gather [hbm4b:s1+s15], $0x80, s4, s15, $0xb8;
	[tilespmem:$0x1F780] =	vst v63  }
0x20: {  	s23 =	simm.s32 $0x50  }
0x21: {  	[tilespmem:s17], [sflag:$0x2] =	stream.indirect.gather [hbm4b:s1+s15], $0x80, s23, s15, $0xb8;
	[tilespmem:$0x1F780] =	vst v63  }
0x22: {  	_ =	swait.ge [sflag:s18], $0x2800  }
0x23: {  	[sflag:s18] =	ssyncset.done $0x0  }
0x24: {  	s29 =	simm.s32 $0x2780;
	[sflag:s18] =	ssyncadd.s32 $0xFFFFD800  }
0x25: {  	[spmem:s3] =	stream.indirect.scatter.add.f32 [tilespmem:s16], [sflag:$0x3], $0x80, s29, s15, $0xb8;
	[tilespmem:$0x1F780] =	vst v63  }
0x26: {  	_ =	swait.ge [sflag:s11], $0x2800  }
0x27: {  	[sflag:s11] =	ssyncset.done $0x0  }
0x28: {  	s30 =	simm.s32 $0xA0;
	[sflag:s11] =	ssyncadd.s32 $0xFFFFD800  }
0x29: {  	[tilespmem:s16], [sflag:$0x1] =	stream.indirect.gather [hbm4b:s1+s15], $0x80, s30, s15, $0xb8;
	[tilespmem:$0x1F780] =	vst v63  }
0x2a: {  	_ =	swait.ge [sflag:s19], $0x2800  }
0x2b: {  	[sflag:s19] =	ssyncset.done $0x0  }
0x2c: {  	s31 =	simm.s32 $0x2800;
	[sflag:s19] =	ssyncadd.s32 $0xFFFFD800  }
0x2d: {  	[spmem:s3] =	stream.indirect.scatter.add.f32 [tilespmem:s17], [sflag:$0x3], $0x80, s31, s15, $0xb8;
	[tilespmem:$0x1F780] =	vst v63  }
0x2e: {  	s24 =	simm.s32 $0x400;
	_ =	swait.ge [sflag:s11], $0x2800  }
0x2f: {  	s25 =	simm.s32 $0x800;
	s23 =	simm.s32 $0x140;
	[sflag:s11] =	ssyncset.done $0x0  }
.LBB2_2:
0x30: {  	p0 =	sne.s32 s25, $0xF400;
	s26 =	sadd.s32 $0xFFFFFFB0, s23;
	[sflag:s11] =	ssyncadd.s32 $0xFFFFD800  }
0x31: {  	[tilespmem:s17], [sflag:$0x2] =	stream.indirect.gather [hbm4b:s1+s15], $0x80, s26, s15, $0xb8;
	[tilespmem:$0x1F780] =	vst v63  }
0x32: {  	s26 =	smov.u32 s25;
	s25 =	sadd.s32 $0x400, s25;
	_ =	swait.ge [sflag:s18], $0x2800  }
0x33: {  	s28 =	sshra.s32 s24, $0x2;
	s24 =	smov.u32 s26;
	[sflag:s18] =	ssyncset.done $0x0  }
0x34: {  	s26 =	sadd.s32 $0x2780, s28;
	[sflag:s18] =	ssyncadd.s32 $0xFFFFD800  }
0x35: {  	[spmem:s3] =	stream.indirect.scatter.add.f32 [tilespmem:s16], [sflag:$0x3], $0x80, s26, s15, $0xb8;
	[tilespmem:$0x1F780] =	vst v63  }
0x36: {  	_ =	swait.ge [sflag:s11], $0x2800  }
0x37: {  	[sflag:s11] =	ssyncset.done $0x0  }
0x38: {  	[sflag:s11] =	ssyncadd.s32 $0xFFFFD800  }
0x39: {  	[tilespmem:s16], [sflag:$0x1] =	stream.indirect.gather [hbm4b:s1+s15], $0x80, s23, s15, $0xb8;
	[tilespmem:$0x1F780] =	vst v63  }
0x3a: {  	_ =	swait.ge [sflag:s19], $0x2800  }
.Ltmp0:
0x3b: {  	[sflag:s19] =	ssyncset.done $0x0;
	(pc) =	sbr.rel @p0 .LBB2_2-.Ltmp0, $4  }
0x3c: {  	s26 =	sadd.s32 $0x2800, s28;
	[sflag:s19] =	ssyncadd.s32 $0xFFFFD800  }
0x3d: {  	[spmem:s3] =	stream.indirect.scatter.add.f32 [tilespmem:s17], [sflag:$0x3], $0x80, s26, s15, $0xb8;
	[tilespmem:$0x1F780] =	vst v63  }
0x3e: {  	_ =	swait.ge [sflag:s11], $0x2800  }
0x3f: {  	s23 =	sadd.s32 $0xA0, s23;
	[sflag:s11] =	ssyncset.done $0x0  }
0x40: {  	s25 =	sadd.s32 $0xFFFFFFB0, s23;
	[sflag:s11] =	ssyncadd.s32 $0xFFFFD800  }
0x41: {  	[tilespmem:s17], [sflag:$0x2] =	stream.indirect.gather [hbm4b:s1+s15], $0x80, s25, s15, $0xb8;
	[tilespmem:$0x1F780] =	vst v63  }
0x42: {  	_ =	swait.ge [sflag:s18], $0x2800  }
0x43: {  	s24 =	sshra.s32 s24, $0x2;
	[sflag:s18] =	ssyncset.done $0x0  }
0x44: {  	s30 =	sadd.s32 $0x2780, s24;
	[sflag:s18] =	ssyncadd.s32 $0xFFFFD800  }
0x45: {  	[spmem:s3] =	stream.indirect.scatter.add.f32 [tilespmem:s16], [sflag:$0x3], $0x80, s30, s15, $0xb8;
	[tilespmem:$0x1F780] =	vst v63  }
0x46: {  	_ =	swait.ge [sflag:s11], $0x2800  }
0x47: {  	[sflag:s11] =	ssyncset.done $0x0  }
0x48: {  	[sflag:s11] =	ssyncadd.s32 $0xFFFFD800  }
0x49: {  	[tilespmem:s16], [sflag:$0x1] =	stream.indirect.gather [hbm4b:s1+s15], $0x80, s23, s15, $0xb8;
	[tilespmem:$0x1F780] =	vst v63  }
0x4a: {  	_ =	swait.ge [sflag:s19], $0x2800  }
0x4b: {  	[sflag:s19] =	ssyncset.done $0x0  }
0x4c: {  	s31 =	sadd.s32 $0x2800, s24;
	[sflag:s19] =	ssyncadd.s32 $0xFFFFD800  }
0x4d: {  	[spmem:s3] =	stream.indirect.scatter.add.f32 [tilespmem:s17], [sflag:$0x3], $0x80, s31, s15, $0xb8;
	[tilespmem:$0x1F780] =	vst v63  }
0x4e: {  	_ =	swait.ge [sflag:s11], $0x2800  }
0x4f: {  	[sflag:s11] =	ssyncset.done $0x0  }
0x50: {  	[sflag:s11] =	ssyncadd.s32 $0xFFFFD800  }
0x51: {  	_ =	swait.ge [sflag:s18], $0x2800  }
0x52: {  	[sflag:s18] =	ssyncset.done $0x0  }
0x53: {  	[sflag:s18] =	ssyncadd.s32 $0xFFFFD800  }
0x54: {  	[spmem:s3] =	stream.indirect.scatter.add.f32 [tilespmem:s16], [sflag:$0x3], $0x80, s20, s15, $0xb8;
	[tilespmem:$0x1F780] =	vst v63  }
0x55: {  	_ =	swait.ge [sflag:s11], $0x2800  }
0x56: {  	s22 =	sadd.s32 $0x1, s22;
	[sflag:s11] =	ssyncset.done $0x0  }
0x57: {  	p0 =	sne.s32 s22, s8;
	[sflag:s11] =	ssyncadd.s32 $0xFFFFD800  }
.Ltmp1:
0x58: {  	[bflag:$0x0] =	sbarrier.arrive $0xFFFF;
	(pc) =	sbr.rel @p0 .LBB2_1-.Ltmp1, $4  }
0x59: {  	[hbm:s21], [sflag:s13] =	dma.local [spmem:s14], $0x2800  }
0x5a: {  	_ =	swait.ge [sflag:s11], $0x2800  }
0x5b: {  	[sflag:s11] =	ssyncset.done $0x0  }
0x5c: {  	[sflag:s11] =	ssyncadd.s32 $0xFFFFD800  }
0x5d: {  	_ =	sfence.sel $0x180000  }
0x5e: {  	[bflag:$0x0] =	sbarrier.arrive $0xFFFF  }
0x5f: {  	p0 =	sne.s32 s0, $0x0;
	_ =	strace $0x9000004D  }
0x60: {  	s0 =	sadd.s32 @!p0 $0x100000, s2;
	[bflag:$0x2] =	sbarrier.arrive $0xFFFF  }
0x61: {  	[sflag:s0] =	ssyncadd.tile.s32 @!p0 $0x1;
	_ =	shalt  }
.Lfunc_end2:
_tile_overlayer_lowered:
.L_overlay_start_2:
0x62: {  	(tag) =	ssettag $0x2  }
0x63: {  	s0 =	rddreg [dreg:$0x0];
	s2 =	stileid.u32  }
0x64: {  	s1 =	rddreg [dreg:$0x1];
	p0 =	sne.s32 s2, $0x0  }
0x65: {  	s3 =	rddreg [dreg:$0x2];
	[bflag:$0x3] =	sbarrier.arrive $0xFFFF;
	s2 =	simm.s32 @!p0 $0x1C03  }
0x66: {  	[timem:s3], [sflag:s2] =	dma.local @!p0 [hbm:s0], s1  }
0x67: {  	s0 =	simm.s32 @!p0 $0x3  }
0x68: {  	_ =	swait.ge @!p0 [sflag:s0], s1  }
0x69: {  	s1 =	ssub.s32 @!p0 $0x0, s1;
	[sflag:s0] =	ssyncset.done @!p0 $0x0  }
0x6a: {  	[sflag:s0] =	ssyncadd.s32 @!p0 s1  }
0x6b: {  	[bflag:$0x3] =	sbarrier.arrive $0xFFFF  }
0x6c: {  	_ =	shalt  }

// kernel: kernel.8.cloned.1.call-start
scs
__scs_entry_jumppad:
0x0: {  	(pc) =	sbr.rel $0x88, $3  }
0x1: {  	(tag) =	ssettag $0x0;
	lr =	simm.s32 $0x1  }
0x2: {  	[smem:$0x3F9A] =	sst lr;
	_ =	strace $0xD0000000  }
0x3: {  	_ = 	snop  }
0x4: {  	_ = 	snop  }
0x5: {  	_ = 	snop  }
0x6: {  	_ = 	snop  }
0x7: {  	_ = 	snop  }
__scs_overlays_trampoline_lowered:
0x8: {  	[smem:$0x3FA9] =	sst s0  }
0x9: {  	[smem:$0x3FAA] =	sst s1  }
0xa: {  	[smem:$0x3FAB] =	sst s2  }
0xb: {  	[smem:$0x3FAC] =	sst s3  }
0xc: {  	[smem:$0x3FAD] =	sst s4  }
0xd: {  	[smem:$0x3FAE] =	sst s5  }
0xe: {  	[smem:$0x3FAF] =	sst s6  }
0xf: {  	[smem:$0x3FB0] =	sst s7  }
0x10: {  	[smem:$0x3FB1] =	sst s8  }
0x11: {  	[smem:$0x3FB2] =	sst s9;
	s0 =	simm.s32 @!p0 $0x0  }
0x12: {  	s1 =	sld [smem:$0x3F98];
	s0 =	simm.s32 @p0 $0x1  }
0x13: {  	[smem:$0x3FB3] =	sst s0;
	s0 =	simm.s32 @!p1 $0x0  }
0x14: {  	s2 =	sld [smem:$0x3F97];
	s0 =	simm.s32 @p1 $0x1  }
0x15: {  	[smem:$0x3FB4] =	sst s0;
	s0 =	simm.s32 @!p2 $0x0  }
0x16: {  	s3 =	sld [smem:$0x3FDB];
	s0 =	simm.s32 @p2 $0x1  }
0x17: {  	s4 =	simm.s32 $0x1BF5;
	[smem:$0x3FB6] =	sst s0  }
0x18: {  	s0 =	sld [smem:$0x3F99];
	_ =	swait.ge [sflag:s4], $0x0  }
0x19: {  	s7 =	sld [smem:$0x3F9A]  }
0x1a: {  	s8 =	sadd.s32 $0xFFFFE003, lr  }
0x1b: {  	s9 =	sadd.s32 $0xFFFFFEF7, lr;
	s5 =	simm.s32 $0xFFFFFFFF;
	p2 =	slt.u32 s8, $0xFFFFF086  }
0x1c: {  	p1 =	slt.u32 s9, $0xF7A;
	s5 =	simm.s32 @!p2 $0x0  }
0x1d: {  	s5 =	simm.s32 @p1 $0x1;
	p0 =	seq.s32 s7, s2  }
0x1e: {  	s7 =	smul.u32 @!p0 $0xF7A, s2;
	p2 =	seq.s32 @!p0 s5, $0x0  }
0x1f: {  	s9 =	smul.u32 $0xF7A, s1;
	s8 =	simm.s32 @!p0 $0x1BF5;
	p2 =	por !p2, p0  }
0x20: {  	[sflag:s8] =	ssyncset.s32 @!p0 $0xFFFFF086;
	s6 =	sadd.s32 @!p0 s3, s7;
	s7 =	simm.s32 @!p0 $0x108  }
0x21: {  	s3 =	sadd.s32 s3, s9;
	s6 =	sadd.s32 @!p0 $0x88, s6;
	s7 =	simm.s32 @p2 $0x1082  }
0x22: {  	[simem:s7], [sflag:s8] =	dma.local @!p0 [hbm:s6], $0xF7A  }
0x23: {  	s9 =	sor.u32 $0xD0000000, s2;
	s6 =	simm.s32 $0x108;
	_ =	swait.ge @!p0 [sflag:s8], $0x0  }
0x24: {  	s3 =	sadd.s32 $0x88, s3;
	s6 =	simm.s32 @!p1 $0x1082;
	[sflag:s4] =	ssyncset.s32 $0xFFFFF086  }
0x25: {  	[simem:s6], [sflag:s4] =	dma.local [hbm:s3], $0xF7A  }
0x26: {  	[smem:$0x3F9A] =	sst s1;
	(tag) =	ssettag s2;
	_ =	strace s9  }
0x27: {  	s1 =	sld [smem:$0x3FAA]  }
0x28: {  	s2 =	sld [smem:$0x3FAB]  }
0x29: {  	s4 =	sld [smem:$0x3FAD]  }
0x2a: {  	p0 =	seq.s32 s5, $0x0;
	s5 =	sld [smem:$0x3FAE]  }
0x2b: {  	s6 =	sld [smem:$0x3FAF]  }
0x2c: {  	s7 =	sld [smem:$0x3FB0]  }
0x2d: {  	s3 =	simm.s32 $0x108;
	s8 =	sld [smem:$0x3FB1]  }
0x2e: {  	s3 =	simm.s32 @!p0 $0x1082;
	s9 =	sld [smem:$0x3FB2]  }
0x2f: {  	lr =	sadd.s32 s0, s3;
	s0 =	sld [smem:$0x3FA9]  }
0x30: {  	s3 =	sld [smem:$0x3FAC]  }
0x31: {  	[smem:$0x3FB5] =	sst s10  }
0x32: {  	s10 =	sld [smem:$0x3FB3];
	_ =	sdelay $0x3  }
0x33: {  	p0 =	seq.s32 s10, $0x1;
	s10 =	sld [smem:$0x3FB5];
	_ =	sdelay $0x3  }
0x34: {  	[smem:$0x3FB5] =	sst s10  }
0x35: {  	s10 =	sld [smem:$0x3FB4];
	_ =	sdelay $0x3  }
0x36: {  	p1 =	seq.s32 s10, $0x1;
	s10 =	sld [smem:$0x3FB5];
	_ =	sdelay $0x3  }
0x37: {  	[smem:$0x3FB5] =	sst s10  }
0x38: {  	s10 =	sld [smem:$0x3FB6]  }
0x39: {  	_ = 	snop;
	(pc) =	sbr.ind lr, $3  }
0x3a: {  	_ = 	snop  }
0x3b: {  	_ = 	snop  }
0x3c: {  	p2 =	seq.s32 s10, $0x1;
	s10 =	sld [smem:$0x3FB5]  }
0x3d: {  	_ =	shalt  }
0x3e: {  	_ =	shalt  }
0x3f: {  	_ =	shalt  }
0x40: {  	_ =	shalt  }
0x41: {  	_ =	shalt  }
0x42: {  	_ =	shalt  }
0x43: {  	_ =	shalt  }
0x44: {  	_ =	shalt  }
0x45: {  	_ =	shalt  }
0x46: {  	_ =	shalt  }
0x47: {  	_ =	shalt  }
0x48: {  	_ =	shalt  }
0x49: {  	_ =	shalt  }
0x4a: {  	_ =	shalt  }
0x4b: {  	_ =	shalt  }
0x4c: {  	_ =	shalt  }
0x4d: {  	_ =	shalt  }
0x4e: {  	_ =	shalt  }
0x4f: {  	_ =	shalt  }
0x50: {  	_ =	shalt  }
0x51: {  	_ =	shalt  }
0x52: {  	_ =	shalt  }
0x53: {  	_ =	shalt  }
0x54: {  	_ =	shalt  }
0x55: {  	_ =	shalt  }
0x56: {  	_ =	shalt  }
0x57: {  	_ =	shalt  }
0x58: {  	_ =	shalt  }
0x59: {  	_ =	shalt  }
0x5a: {  	_ =	shalt  }
0x5b: {  	_ =	shalt  }
0x5c: {  	_ =	shalt  }
0x5d: {  	_ =	shalt  }
0x5e: {  	_ =	shalt  }
0x5f: {  	_ =	shalt  }
0x60: {  	_ =	shalt  }
0x61: {  	_ =	shalt  }
0x62: {  	_ =	shalt  }
0x63: {  	_ =	shalt  }
0x64: {  	_ =	shalt  }
0x65: {  	_ =	shalt  }
0x66: {  	_ =	shalt  }
0x67: {  	_ =	shalt  }
0x68: {  	_ =	shalt  }
0x69: {  	_ =	shalt  }
0x6a: {  	_ =	shalt  }
0x6b: {  	_ =	shalt  }
0x6c: {  	_ =	shalt  }
0x6d: {  	_ =	shalt  }
0x6e: {  	_ =	shalt  }
0x6f: {  	_ =	shalt  }
0x70: {  	_ =	shalt  }
0x71: {  	_ =	shalt  }
0x72: {  	_ =	shalt  }
0x73: {  	_ =	shalt  }
0x74: {  	_ =	shalt  }
0x75: {  	_ =	shalt  }
0x76: {  	_ =	shalt  }
0x77: {  	_ =	shalt  }
0x78: {  	_ =	shalt  }
0x79: {  	_ =	shalt  }
0x7a: {  	_ =	shalt  }
0x7b: {  	_ =	shalt  }
0x7c: {  	_ =	shalt  }
0x7d: {  	_ =	shalt  }
0x7e: {  	_ =	shalt  }
0x7f: {  	_ =	shalt  }
0x80: {  	_ =	shalt  }
0x81: {  	_ =	shalt  }
0x82: {  	_ =	shalt  }
0x83: {  	_ =	shalt  }
0x84: {  	_ =	shalt  }
0x85: {  	_ =	shalt  }
0x86: {  	_ =	shalt  }
0x87: {  	_ =	shalt  }
.Lfunc_end0:
.L_simem_size_0:
called_computation_lowered:
.L_overlay_start_0:
0x88: {  	s2 =	sld [smem:$0x3FD9]  }
0x89: {  	s3 =	sld [smem:$0x3FFE];
	_ =	sdelay $0x1  }
0x8a: {  	s1 =	srdreg.scid  }
0x8b: {  	s0 =	sand.u32 $0x1, s1  }
0x8c: {  	s17 =	sshll.u32 s0, $0xA;
	s2 =	sadd.s32 s3, s2  }
0x8d: {  	s2 =	sadd.s32 s2, s17  }
0x8e: {  	[smem:$0x3FC1] =	sst s2  }
0x8f: {  	_ = 	snop  }
0x90: {  	s2 =	sld [smem:$0x3FD0];
	(tm) =	ssettm $0x1  }
0x91: {  	s18 =	sld [smem:$0x3FFB];
	_ =	sdelay $0x3  }
0x92: {  	_ =	strace s18  }
0x93: {  	s3 =	sld [smem:$0x3FFC];
	_ =	sdelay $0x3  }
0x94: {  	_ =	strace s3  }
0x95: {  	s3 =	sld [smem:$0x3FFD];
	_ =	sdelay $0x3  }
0x96: {  	_ =	strace s3  }
0x97: {  	_ =	strace $0x8FFFFFFF  }
0x98: {  	s19 =	sld [smem:$0x3FDB];
	_ =	sdelay $0x1  }
0x99: {  	s4 =	simm.s32 $_scs_section_size  }
0x9a: {  	s5 =	simm.s32 $_size__tile_overlayer_lowered;
	s6 =	simm.s32 $_tile_overlayer_lowered  }
0x9b: {  	s22 =	simm.s32 $0x1BFF;
	s21 =	sshll.u32 s6, $0x1;
	s3 =	sadd.s32 s4, s19  }
0x9c: {  	s7 =	simm.s32 $0x0;
	s20 =	sshll.u32 s5, $0x1;
	s5 =	sadd.s32 s21, s3  }
0x9d: {  	[timem:s7], [sflag:s22] =	dma.local [hbm:s5], s20  }
0x9e: {  	_ =	swait.ge [sflag:s22], s20  }
0x9f: {  	s4 =	ssub.s32 $0x0, s20;
	[sflag:s22] =	ssyncset.done $0x0  }
0xa0: {  	[sflag:s22] =	ssyncadd.s32 s4;
	_ =	sdelay $0x1  }
0xa1: {  	s23 =	simm.s32 $0x1B8B  }
0xa2: {  	_ =	swait.ge [sflag:s23], $0x1  }
0xa3: {  	[sflag:s23] =	ssyncset.done $0x0  }
0xa4: {  	s25 =	simm.s32 $0x1B8E;
	s24 =	sld [smem:$0x3FFE];
	[sflag:s23] =	ssyncadd.s32 $0xFFFFFFFF  }
0xa5: {  	s26 =	simm.s32 $execute0_lowered;
	[smem:$0x3FD2] =	sst s25  }
0xa6: {  	s5 =	sshll.u32 s26, $0x1;
	_ =	strace $0x80000046;
	[dreg:$0x1] =	wrdreg $0xFFFFFFFF  }
0xa7: {  	s28 =	simm.s32 $_size_execute0_lowered;
	s3 =	sadd.s32 s3, s5;
	[dreg:$0x0] =	wrdreg $0x0  }
0xa8: {  	s5 =	sshll.u32 s28, $0x1;
	[dreg:$0x2] =	wrdreg s3  }
0xa9: {  	[dreg:$0x3] =	wrdreg s5  }
0xaa: {  	[dreg:$0x4] =	wrdreg $0xC0  }
0xab: {  	_ =	task [dreg:s7], $0x5FFFF  }
0xac: {  	[dreg:$0x1] =	wrdreg $0xFFFFFFFF  }
0xad: {  	[dreg:$0x0] =	wrdreg $0x60  }
0xae: {  	[dreg:$0x2] =	wrdreg s24  }
0xaf: {  	[dreg:$0x3] =	wrdreg s2  }
0xb0: {  	[dreg:$0x4] =	wrdreg $0x68000  }
0xb1: {  	[dreg:$0x5] =	wrdreg $0x9  }
0xb2: {  	_ =	task.clear_ibuf [dreg:s7], $0x6FFFF;
	_ =	strace $0x90000046  }
0xb3: {  	s29 =	simm.s32 $0x9;
	_ =	strace $0x80000048  }
0xb4: {  	_ =	swait.ge [sflag:s29], $0x1  }
0xb5: {  	[sflag:s29] =	ssyncadd.s32 $0xFFFFFFFF  }
0xb6: {  	_ =	strace $0x90000048  }
0xb7: {  	_ =	sfence  }
0xb8: {  	s30 =	sld [smem:$0x0];
	_ =	sdelay $0x2  }
0xb9: {  	s31 =	sshll.u32 s1, $0xD;
	s1 =	sshrl.u32 s1, $0x2  }
0xba: {  	s3 =	sand.u32 $0x4000, s31;
	s1 =	sadd.s32 s1, s30  }
0xbb: {  	s0 =	sor.u32 s3, s0;
	s1 =	sshll.u32 s1, $0x11  }
0xbc: {  	s0 =	sor.u32 s1, s0  }
0xbd: {  	s0 =	sadd.s32 $0x8F2B, s0  }
0xbe: {  	[sflag:s0] =	ssyncadd.remote.s32 $0x1  }
0xbf: {  	_ =	sfence.sel $0xFFFF  }
0xc0: {  	[dreg:$0x0] =	wrdreg $0xFFFFFFFF;
	(pc) =	sbr.abs _section_cstart, $3  }
0xc1: {  	[dreg:$0x1] =	wrdreg $0xFFFFFFFF  }
0xc2: {  	_ =	task.clear_ibuf [dreg:s7], $0x2FFFF;
	_ =	strace $0x9FFFFFFF  }
0xc3: {  	(tm) =	ssettm $0x7FFFFFFF  }
tec
execute0_lowered:
.L_overlay_start_1:
0x0: {  	(tag) =	ssettag $0x1  }
0x1: {  	s6 =	rddreg [dreg:$0x0]  }
0x2: {  	s1 =	rddreg [dreg:$0x1]  }
0x3: {  	s3 =	rddreg [dreg:$0x2]  }
0x4: {  	s0 =	rddreg [dreg:$0x3];
	s4 =	simm.s32 $0x0  }
0x5: {  	s2 =	stileid.u32;
	s5 =	srdreg.scid;
	s12 =	simm.s32 $0x50  }
0x6: {  	[smem:$0x7FF] =	sst s4;
	s7 =	sshll.u32 s2, $0xB;
	s11 =	smul.u32 $0x50000, s2  }
0x7: {  	s8 =	sand.u32 $0x1, s5;
	s5 =	sadd.s32 $0x12400, s6;
	s14 =	smul.u32 $0x2800, s2  }
0x8: {  	s31 =	sshll.u32 s2, $0x6;
	_ =	strace $0x80000047;
	s7 =	sadd.s32 s7, s6  }
0x9: {  	s9 =	smul.u32 $0x28000, s8;
	s10 =	ssub.s32 $0x2, s8;
	s8 =	sshll.u32 s8, $0xF  }
0xa: {  	s28 =	sshrl.u32 s10, $0x1;
	s7 =	sadd.s32 s8, s7;
	s30 =	sshrl.u32 s11, $0x2  }
0xb: {  	s8 =	simm.s32 $0x1;
	s9 =	sadd.s32 s9, s6;
	s29 =	ssub.s32 s10, s28  }
0xc: {  	s6 =	sadd.s32 $0x2400, s7;
	s11 =	sadd.s32 s30, s3;
	s10 =	sor.u32 $0x1C01, s31  }
0xd: {  	s13 =	sadd.s32 $0x14C00, s9;
	s7 =	smax.u32 s29, $0x1;
	s9 =	simm.s32 $0x4000  }
0xe: {  	s11 =	sshrl.u32 s11, $0x3;
	s13 =	sadd.s32 s14, s13;
	s14 =	simm.s32 $0x0  }
.LBB2_1:
0xf: {  	[tilespmem:s4], [sflag:$0x1] =	stream.linear.gather [hbm4b:s6+s4], $0x3E80, $0x38;
	[tilespmem:$0x1A800] =	vst v63  }
0x10: {  	_ =	swait.ge [sflag:s8], $0x3E80  }
0x11: {  	[sflag:s8] =	ssyncset.done $0x0  }
0x12: {  	[sflag:s8] =	ssyncadd.s32 $0xFFFFC180  }
0x13: {  	[tilespmem:s9], [sflag:$0x1] =	stream.linear.gather [hbm4b:s1+s4], $0x2800, $0x38;
	[tilespmem:$0x1A800] =	vst v63  }
0x14: {  	_ =	swait.ge [sflag:s8], $0x2800  }
0x15: {  	[sflag:s8] =	ssyncset.done $0x0  }
0x16: {  	[sflag:s8] =	ssyncadd.s32 $0xFFFFD800  }
0x17: {  	[spmem:s11], [sflag:s10] =	dma.local [hbm:s5], $0x2800  }
0x18: {  	_ =	swait.ge [sflag:s8], $0x2800  }
0x19: {  	[sflag:s8] =	ssyncset.done $0x0  }
0x1a: {  	[sflag:s8] =	ssyncadd.s32 $0xFFFFD800  }
0x1b: {  	s15 =	simm.s32 $0x0;
	[bflag:$0x0] =	sbarrier.arrive $0xFFFF  }
0x1c: {  	[spmem:s3] =	stream.indirect.scatter.add.f32 [tilespmem:s9], [sflag:$0x1], $0x80, s15, s12, $0xb8;
	[tilespmem:$0x1A800] =	vst v63  }
0x1d: {  	_ =	swait.ge [sflag:s8], $0x2800  }
0x1e: {  	s15 =	simm.s32 $0x200;
	[sflag:s8] =	ssyncset.done $0x0  }
.LBB2_2:
0x1f: {  	s16 =	sshra.s32 s15, $0x2;
	[sflag:s8] =	ssyncadd.s32 $0xFFFFD800;
	p0 =	sne.s32 s15, $0xF800  }
0x20: {  	[spmem:s3] =	stream.indirect.scatter.add.f32 [tilespmem:s9], [sflag:$0x1], $0x80, s16, s12, $0xb8;
	[tilespmem:$0x1A800] =	vst v63  }
.Ltmp0:
0x21: {  	_ = 	snop;
	(pc) =	sbr.rel @p0 .LBB2_2-.Ltmp0, $4  }
0x22: {  	_ = 	snop  }
0x23: {  	s15 =	sadd.s32 $0x200, s15  }
0x24: {  	_ =	swait.ge [sflag:s8], $0x2800  }
0x25: {  	[sflag:s8] =	ssyncset.done $0x0  }
0x26: {  	s14 =	sadd.s32 $0x1, s14  }
0x27: {  	[sflag:s8] =	ssyncadd.s32 $0xFFFFD800;
	p0 =	sne.s32 s14, s7  }
.Ltmp1:
0x28: {  	[bflag:$0x0] =	sbarrier.arrive $0xFFFF;
	(pc) =	sbr.rel @p0 .LBB2_1-.Ltmp1, $4  }
0x29: {  	[hbm:s13], [sflag:s10] =	dma.local [spmem:s11], $0x2800  }
0x2a: {  	_ =	swait.ge [sflag:s8], $0x2800  }
0x2b: {  	[sflag:s8] =	ssyncset.done $0x0  }
0x2c: {  	[sflag:s8] =	ssyncadd.s32 $0xFFFFD800  }
0x2d: {  	_ =	sfence.sel $0x180000  }
0x2e: {  	[bflag:$0x0] =	sbarrier.arrive $0xFFFF  }
0x2f: {  	p0 =	sne.s32 s2, $0x0;
	_ =	strace $0x90000047  }
0x30: {  	s0 =	sadd.s32 @!p0 $0x100000, s0;
	[bflag:$0x2] =	sbarrier.arrive $0xFFFF  }
0x31: {  	[sflag:s0] =	ssyncadd.tile.s32 @!p0 $0x1;
	_ =	shalt  }
.Lfunc_end2:
_tile_overlayer_lowered:
.L_overlay_start_2:
0x32: {  	(tag) =	ssettag $0x2  }
0x33: {  	s0 =	rddreg [dreg:$0x0];
	s2 =	stileid.u32  }
0x34: {  	s1 =	rddreg [dreg:$0x1];
	p0 =	sne.s32 s2, $0x0  }
0x35: {  	s3 =	rddreg [dreg:$0x2];
	[bflag:$0x3] =	sbarrier.arrive $0xFFFF;
	s2 =	simm.s32 @!p0 $0x1C01  }
0x36: {  	[timem:s3], [sflag:s2] =	dma.local @!p0 [hbm:s0], s1  }
0x37: {  	s0 =	simm.s32 @!p0 $0x1  }
0x38: {  	_ =	swait.ge @!p0 [sflag:s0], s1  }
0x39: {  	s1 =	ssub.s32 @!p0 $0x0, s1;
	[sflag:s0] =	ssyncset.done @!p0 $0x0  }
0x3a: {  	[sflag:s0] =	ssyncadd.s32 @!p0 s1  }
0x3b: {  	[bflag:$0x3] =	sbarrier.arrive $0xFFFF  }
0x3c: {  	_ =	shalt  }

</sc_bundles>
